<compile_context>
chip_gen: v7x
topology: tpu7x:2x2x1
jax: 0.10.2.dev20260603
libtpu: 0.0.44.dev20260713+nightly
codegen_flags: <defaults>
</compile_context>

<pallas_src>
import functools

import jax
import jax.numpy as jnp
from jax import lax
from jax.experimental import pallas as pl
from jax.experimental.pallas import tpu as pltpu
from jax.experimental.pallas import tpu_sc as plsc

N_NODES = 10000
F = 256
HALF = 128
NSUB = 16
NCORE = 2
CH = 128
NPASS = 2
NPP = N_NODES // NPASS
ROWS_PER_TILE = 320
N_ACC = NSUB * ROWS_PER_TILE
N_DUMMY = N_ACC - NPP


def _mm_body(h_ref, w_ref, n_ref, o_ref):
    hw = jnp.dot(h_ref[...], w_ref[...], preferred_element_type=jnp.float32)
    hw = hw * n_ref[...]
    o_ref[0, :, :] = hw[:, :HALF]
    o_ref[1, :, :] = hw[:, HALF:]


def _transform(h, W, norm):
    R = 1000
    return pl.pallas_call(
        _mm_body,
        grid=(N_NODES // R,),
        in_specs=[
            pl.BlockSpec((R, F), lambda i: (i, 0)),
            pl.BlockSpec((F, F), lambda i: (0, 0)),
            pl.BlockSpec((R, 1), lambda i: (i, 0)),
        ],
        out_specs=pl.BlockSpec((NCORE, R, HALF), lambda i: (0, i, 0)),
        out_shape=jax.ShapeDtypeStruct((NCORE, N_NODES, HALF), jnp.float32),
    )(h, W, norm)


def _aggregate(hw2, src_p, dst_p, zrows, n_chunks):
    mesh = plsc.VectorSubcoreMesh(core_axis_name="c", subcore_axis_name="s")

    @functools.partial(
        pl.kernel,
        out_type=jax.ShapeDtypeStruct((NCORE, N_NODES, HALF), jnp.float32),
        mesh=mesh,
        scratch_types=[
            pltpu.VMEM((n_chunks, CH), jnp.int32),
            pltpu.VMEM((n_chunks, CH), jnp.int32),
            pltpu.VMEM((CH, HALF), jnp.float32),
            pltpu.VMEM((CH, HALF), jnp.float32),
            pltpu.VMEM((CH, HALF), jnp.float32),
            pltpu.VMEM((CH, HALF), jnp.float32),
            pltpu.VMEM_SHARED((N_ACC, HALF), jnp.float32),
            pltpu.SemaphoreType.DMA,
            pltpu.SemaphoreType.DMA,
            pltpu.SemaphoreType.DMA,
            pltpu.SemaphoreType.DMA,
        ],
    )
    def agg(hw_hbm, src_hbm, dst_hbm, z_hbm, out_hbm,
            src_v, dst_v, buf0, buf1, buf2, buf3, acc, g0, g1, g2, g3):
        cid = lax.axis_index("c")
        sid = lax.axis_index("s")
        base = sid * ROWS_PER_TILE

        pltpu.sync_copy(src_hbm.at[sid], src_v)

        hw_view = hw_hbm.at[cid]
        bufs = (buf0, buf1, buf2, buf3)
        sems = (g0, g1, g2, g3)
        nbuf = len(bufs)

        for p in range(NPASS):
            pltpu.sync_copy(z_hbm, acc.at[pl.ds(base, ROWS_PER_TILE)])
            pltpu.sync_copy(dst_hbm.at[p].at[sid], dst_v)
            plsc.subcore_barrier()

            for bsel in range(nbuf):
                pltpu.async_copy(hw_view.at[src_v.at[bsel]], bufs[bsel],
                                 sems[bsel])

            @pl.loop(0, n_chunks, step=nbuf)
            def _(j):
                for bsel in range(nbuf):
                    jj = j + bsel
                    buf, sem = bufs[bsel], sems[bsel]
                    pltpu.make_async_copy(
                        hw_view.at[src_v.at[jj]], buf, sem).wait()

                    @pl.when(jj + nbuf < n_chunks)
                    def _():
                        pltpu.async_copy(hw_view.at[src_v.at[jj + nbuf]],
                                         buf, sem)

            plsc.subcore_barrier()
            out_view = out_hbm.at[cid]

            @pl.when(sid < NSUB - 1)
            def _():
                pltpu.sync_copy(
                    acc.at[pl.ds(base, ROWS_PER_TILE)],
                    out_view.at[pl.ds(p * NPP + base, ROWS_PER_TILE)])

            @pl.when(sid == NSUB - 1)
            def _():
                last = NPP - (NSUB - 1) * ROWS_PER_TILE
                pltpu.sync_copy(
                    acc.at[pl.ds(base, last)],
                    out_view.at[pl.ds(p * NPP + base, last)])

            plsc.subcore_barrier()

    return agg(hw2, src_p, dst_p, zrows)


def _finish_body(a_ref, n_ref, b_ref, o_ref):
    n = n_ref[...]
    bvec = b_ref[...]
    o_ref[:, :HALF] = jnp.maximum(a_ref[0, :, :] * n + bvec[:, :HALF], 0.0)
    o_ref[:, HALF:] = jnp.maximum(a_ref[1, :, :] * n + bvec[:, HALF:], 0.0)


def _finish(agg2, norm, b):
    R = 1000
    b2 = b.reshape(1, F)
    return pl.pallas_call(
        _finish_body,
        grid=(N_NODES // R,),
        in_specs=[
            pl.BlockSpec((NCORE, R, HALF), lambda i: (0, i, 0)),
            pl.BlockSpec((R, 1), lambda i: (i, 0)),
            pl.BlockSpec((1, F), lambda i: (0, 0)),
        ],
        out_specs=pl.BlockSpec((R, F), lambda i: (i, 0)),
        out_shape=jax.ShapeDtypeStruct((N_NODES, F), jnp.float32),
    )(agg2, norm, b2)


def kernel(h, edge_index, norm, W, b):
    src = edge_index[0].astype(jnp.int32)
    dst = edge_index[1].astype(jnp.int32)
    E = src.shape[0]

    per_tile = NSUB * CH
    n_chunks = -(-E // per_tile)
    n_chunks += n_chunks % 2
    e_pad = n_chunks * per_tile
    pad = e_pad - E
    ar = jnp.arange(pad, dtype=jnp.int32)
    src_p = jnp.concatenate([src, ar % NSUB]).reshape(NSUB, n_chunks, CH)

    ar_all = jnp.arange(e_pad, dtype=jnp.int32)
    dst_full = jnp.concatenate([dst, jnp.full((pad,), -1, jnp.int32)])
    dst_passes = []
    for p in range(NPASS):
        local = dst_full - p * NPP
        inrange = (local >= 0) & (local < NPP)
        dst_passes.append(
            jnp.where(inrange, local, NPP + (ar_all % N_DUMMY)))
    dst_p = jnp.stack(dst_passes).reshape(NPASS, NSUB, n_chunks, CH)

    zrows = jnp.zeros((ROWS_PER_TILE, HALF), jnp.float32)

    hw2 = _transform(h, W, norm)
    agg2 = _aggregate(hw2, src_p, dst_p, zrows, n_chunks)
    return _finish(agg2, norm, b)

# --- scband reference (transcript-rebuilt; emitter-appended) ---
"""Pipeline reference for scband-egl-gcnlayer-39505109188645 (READ-ONLY COPY).

The authoritative reference and input builder live on the scoring server;
editing this copy changes nothing except your own understanding.
"""

import jax, jax.numpy as jnp
import numpy as np

N_NODES = 10000
N_EDGES = 160000
IN_FEATS = 256
OUT_FEATS = 256


def setup_inputs(seed: int = 0) -> dict:
    key = jax.random.key(seed)
    k1, k2, k3, k4, k5 = jax.random.split(key, 5)
    h = jax.random.normal(k1, (N_NODES, IN_FEATS), dtype=jnp.float32)
    edge_index = jax.random.randint(k2, (2, N_EDGES), 0, N_NODES, dtype=jnp.int64)
    # symmetric-normalization-style per-node scalar (g.ndata['norm'])
    norm = jax.random.uniform(k3, (N_NODES, 1), dtype=jnp.float32)
    # xavier_uniform weight
    bound = float(np.sqrt(6.0 / (IN_FEATS + OUT_FEATS)))
    W = jax.random.uniform(k4, (IN_FEATS, OUT_FEATS), dtype=jnp.float32, minval=-bound, maxval=bound)
    b = jnp.zeros((OUT_FEATS,), dtype=jnp.float32)
    return {"h": h, "edge_index": edge_index, "norm": norm, "W": W, "b": b}


def reference(h, edge_index, norm, W, b):
    # dropout p=0.0 -> identity (and eval-mode semantics)
    h = jnp.dot(h, W)
    src = edge_index[0]
    dst = edge_index[1]
    # nb_compute: for each dst v, sum over in-neighbors u of (h_u * norm_u), then * norm_v
    msg = h[src] * norm[src]
    agg = jnp.zeros((h.shape[0], h.shape[1]), dtype=h.dtype).at[dst].add(msg)
    out = agg * norm
    out = out + b
    out = jax.nn.relu(out)
    return out

if __name__ == "__main__":
    import jax
    _d = setup_inputs()
    print(jax.jit(kernel)(*tuple(_d.values())))

</pallas_src>

<mosaic_0001>
#map = affine_map<(d0, d1) -> (0, 0, 0)>
#map1 = affine_map<(d0, d1) -> (0, 0, 0, 0)>
#map2 = affine_map<(d0, d1) -> (0, 0)>
module attributes {stable_mosaic.version = 14 : i64} {
  func.func @agg(%arg0: i32, %arg1: i32, %arg2: memref<2x10000x128xf32, #tpu.memory_space<hbm>>, %arg3: memref<16x80x128xi32, #tpu.memory_space<hbm>>, %arg4: memref<2x16x80x128xi32, #tpu.memory_space<hbm>>, %arg5: memref<320x128xf32, #tpu.memory_space<hbm>>, %arg6: memref<2x10000x128xf32, #tpu.memory_space<hbm>>, %arg7: memref<80x128xi32, #tpu.memory_space<vmem>>, %arg8: memref<80x128xi32, #tpu.memory_space<vmem>>, %arg9: memref<128x128xf32, #tpu.memory_space<vmem>>, %arg10: memref<128x128xf32, #tpu.memory_space<vmem>>, %arg11: memref<128x128xf32, #tpu.memory_space<vmem>>, %arg12: memref<128x128xf32, #tpu.memory_space<vmem>>, %arg13: memref<5120x128xf32, #tpu.memory_space<vmem_shared>>, %arg14: memref<!tpu.dma_semaphore, #tpu.memory_space<semaphore_mem>>, %arg15: memref<!tpu.dma_semaphore, #tpu.memory_space<semaphore_mem>>, %arg16: memref<!tpu.dma_semaphore, #tpu.memory_space<semaphore_mem>>, %arg17: memref<!tpu.dma_semaphore, #tpu.memory_space<semaphore_mem>>) attributes {dimension_semantics = [#tpu.dimension_semantics<core_parallel>, #tpu.dimension_semantics<subcore_parallel>], iteration_bounds = array<i64: 2, 16>, scalar_prefetch = 0 : i64, scratch_operands = 11 : i64, tpu.core_type = #tpu.core_type<sc_vector_subcore>, window_params = [{transform_indices = #map}, {transform_indices = #map}, {transform_indices = #map1}, {transform_indices = #map2}, {transform_indices = #map}]} {
    %mul3A = arith.constant 320 : i32
    %mul3A_0 = arith.muli %arg1, %mul3A : i32
    "tpu.region"() ({
      %run_scoped3A_119 = tpu.sem_alloc : memref<!tpu.dma_semaphore, #tpu.memory_space<semaphore_mem>>
      %dma_start3A_120 = arith.constant 0 : i32
      %dma_start3A_121 = arith.constant 0 : i32
      %dma_start3A_122 = tpu.memref_slice %arg3[%arg1, %dma_start3A_120, %dma_start3A_121] : memref<16x80x128xi32, #tpu.memory_space<hbm>> -> memref<1x80x128xi32, #tpu.memory_space<hbm>>
      %dma_start3A_123 = tpu.memref_squeeze %dma_start3A_122 : memref<1x80x128xi32, #tpu.memory_space<hbm>> -> memref<80x128xi32, #tpu.memory_space<hbm>>
      %dma_start3A_124 = arith.constant 0 : i32
      %dma_start3A_125 = arith.constant 0 : i32
      %dma_start3A_126 = tpu.memref_slice %arg3[%arg1, %dma_start3A_124, %dma_start3A_125] : memref<16x80x128xi32, #tpu.memory_space<hbm>> -> memref<1x80x128xi32, #tpu.memory_space<hbm>>
      %dma_start3A_127 = tpu.memref_squeeze %dma_start3A_126 : memref<1x80x128xi32, #tpu.memory_space<hbm>> -> memref<80x128xi32, #tpu.memory_space<hbm>>
      tpu.enqueue_dma source(%dma_start3A_127 : memref<80x128xi32, #tpu.memory_space<hbm>>) target(%arg7 : memref<80x128xi32, #tpu.memory_space<vmem>>) target_semaphore(%run_scoped3A_119 : memref<!tpu.dma_semaphore, #tpu.memory_space<semaphore_mem>>)
      %dma_wait3A = arith.constant 0 : i32
      %dma_wait3A_128 = arith.constant 0 : i32
      %dma_wait3A_129 = tpu.memref_slice %arg3[%arg1, %dma_wait3A, %dma_wait3A_128] : memref<16x80x128xi32, #tpu.memory_space<hbm>> -> memref<1x80x128xi32, #tpu.memory_space<hbm>>
      %dma_wait3A_130 = tpu.memref_squeeze %dma_wait3A_129 : memref<1x80x128xi32, #tpu.memory_space<hbm>> -> memref<80x128xi32, #tpu.memory_space<hbm>>
      %dma_wait3A_131 = arith.constant 0 : i32
      %dma_wait3A_132 = arith.constant 0 : i32
      %dma_wait3A_133 = tpu.memref_slice %arg3[%arg1, %dma_wait3A_131, %dma_wait3A_132] : memref<16x80x128xi32, #tpu.memory_space<hbm>> -> memref<1x80x128xi32, #tpu.memory_space<hbm>>
      %dma_wait3A_134 = tpu.memref_squeeze %dma_wait3A_133 : memref<1x80x128xi32, #tpu.memory_space<hbm>> -> memref<80x128xi32, #tpu.memory_space<hbm>>
      tpu.wait_dma2 semaphore(%run_scoped3A_119 : memref<!tpu.dma_semaphore, #tpu.memory_space<semaphore_mem>>) src(%dma_wait3A_134 : memref<80x128xi32, #tpu.memory_space<hbm>>) dst(%arg7 : memref<80x128xi32, #tpu.memory_space<vmem>>)
      tpu.yield
    }) : () -> ()
    "tpu.region"() ({
      %run_scoped3A_119 = tpu.sem_alloc : memref<!tpu.dma_semaphore, #tpu.memory_space<semaphore_mem>>
      %dma_start3A_120 = arith.constant 0 : i32
      %dma_start3A_121 = tpu.memref_slice %arg13[%mul3A_0, %dma_start3A_120] : memref<5120x128xf32, #tpu.memory_space<vmem_shared>> -> memref<320x128xf32, #tpu.memory_space<vmem_shared>>
      tpu.enqueue_dma source(%arg5 : memref<320x128xf32, #tpu.memory_space<hbm>>) target(%dma_start3A_121 : memref<320x128xf32, #tpu.memory_space<vmem_shared>>) target_semaphore(%run_scoped3A_119 : memref<!tpu.dma_semaphore, #tpu.memory_space<semaphore_mem>>)
      %dma_wait3A = arith.constant 0 : i32
      %dma_wait3A_122 = tpu.memref_slice %arg13[%mul3A_0, %dma_wait3A] : memref<5120x128xf32, #tpu.memory_space<vmem_shared>> -> memref<320x128xf32, #tpu.memory_space<vmem_shared>>
      tpu.wait_dma2 semaphore(%run_scoped3A_119 : memref<!tpu.dma_semaphore, #tpu.memory_space<semaphore_mem>>) src(%arg5 : memref<320x128xf32, #tpu.memory_space<hbm>>) dst(%dma_wait3A_122 : memref<320x128xf32, #tpu.memory_space<vmem_shared>>)
      tpu.yield
    }) : () -> ()
    %run_scoped3A = arith.constant 0 : i32
    "tpu.region"() ({
      %run_scoped3A_119 = tpu.sem_alloc : memref<!tpu.dma_semaphore, #tpu.memory_space<semaphore_mem>>
      %dma_start3A_120 = arith.constant 0 : i32
      %dma_start3A_121 = arith.constant 0 : i32
      %dma_start3A_122 = arith.constant 0 : i32
      %dma_start3A_123 = tpu.memref_slice %arg4[%run_scoped3A, %dma_start3A_120, %dma_start3A_121, %dma_start3A_122] : memref<2x16x80x128xi32, #tpu.memory_space<hbm>> -> memref<1x16x80x128xi32, #tpu.memory_space<hbm>>
      %dma_start3A_124 = tpu.memref_squeeze %dma_start3A_123 : memref<1x16x80x128xi32, #tpu.memory_space<hbm>> -> memref<16x80x128xi32, #tpu.memory_space<hbm>>
      %dma_start3A_125 = arith.constant 0 : i32
      %dma_start3A_126 = arith.constant 0 : i32
      %dma_start3A_127 = tpu.memref_slice %dma_start3A_124[%arg1, %dma_start3A_125, %dma_start3A_126] : memref<16x80x128xi32, #tpu.memory_space<hbm>> -> memref<1x80x128xi32, #tpu.memory_space<hbm>>
      %dma_start3A_128 = tpu.memref_squeeze %dma_start3A_127 : memref<1x80x128xi32, #tpu.memory_space<hbm>> -> memref<80x128xi32, #tpu.memory_space<hbm>>
      %dma_start3A_129 = arith.constant 0 : i32
      %dma_start3A_130 = arith.constant 0 : i32
      %dma_start3A_131 = arith.constant 0 : i32
      %dma_start3A_132 = tpu.memref_slice %arg4[%run_scoped3A, %dma_start3A_129, %dma_start3A_130, %dma_start3A_131] : memref<2x16x80x128xi32, #tpu.memory_space<hbm>> -> memref<1x16x80x128xi32, #tpu.memory_space<hbm>>
      %dma_start3A_133 = tpu.memref_squeeze %dma_start3A_132 : memref<1x16x80x128xi32, #tpu.memory_space<hbm>> -> memref<16x80x128xi32, #tpu.memory_space<hbm>>
      %dma_start3A_134 = arith.constant 0 : i32
      %dma_start3A_135 = arith.constant 0 : i32
      %dma_start3A_136 = tpu.memref_slice %dma_start3A_133[%arg1, %dma_start3A_134, %dma_start3A_135] : memref<16x80x128xi32, #tpu.memory_space<hbm>> -> memref<1x80x128xi32, #tpu.memory_space<hbm>>
      %dma_start3A_137 = tpu.memref_squeeze %dma_start3A_136 : memref<1x80x128xi32, #tpu.memory_space<hbm>> -> memref<80x128xi32, #tpu.memory_space<hbm>>
      tpu.enqueue_dma source(%dma_start3A_137 : memref<80x128xi32, #tpu.memory_space<hbm>>) target(%arg8 : memref<80x128xi32, #tpu.memory_space<vmem>>) target_semaphore(%run_scoped3A_119 : memref<!tpu.dma_semaphore, #tpu.memory_space<semaphore_mem>>)
      %dma_wait3A = arith.constant 0 : i32
      %dma_wait3A_138 = arith.constant 0 : i32
      %dma_wait3A_139 = arith.constant 0 : i32
      %dma_wait3A_140 = tpu.memref_slice %arg4[%run_scoped3A, %dma_wait3A, %dma_wait3A_138, %dma_wait3A_139] : memref<2x16x80x128xi32, #tpu.memory_space<hbm>> -> memref<1x16x80x128xi32, #tpu.memory_space<hbm>>
      %dma_wait3A_141 = tpu.memref_squeeze %dma_wait3A_140 : memref<1x16x80x128xi32, #tpu.memory_space<hbm>> -> memref<16x80x128xi32, #tpu.memory_space<hbm>>
      %dma_wait3A_142 = arith.constant 0 : i32
      %dma_wait3A_143 = arith.constant 0 : i32
      %dma_wait3A_144 = tpu.memref_slice %dma_wait3A_141[%arg1, %dma_wait3A_142, %dma_wait3A_143] : memref<16x80x128xi32, #tpu.memory_space<hbm>> -> memref<1x80x128xi32, #tpu.memory_space<hbm>>
      %dma_wait3A_145 = tpu.memref_squeeze %dma_wait3A_144 : memref<1x80x128xi32, #tpu.memory_space<hbm>> -> memref<80x128xi32, #tpu.memory_space<hbm>>
      %dma_wait3A_146 = arith.constant 0 : i32
      %dma_wait3A_147 = arith.constant 0 : i32
      %dma_wait3A_148 = arith.constant 0 : i32
      %dma_wait3A_149 = tpu.memref_slice %arg4[%run_scoped3A, %dma_wait3A_146, %dma_wait3A_147, %dma_wait3A_148] : memref<2x16x80x128xi32, #tpu.memory_space<hbm>> -> memref<1x16x80x128xi32, #tpu.memory_space<hbm>>
      %dma_wait3A_150 = tpu.memref_squeeze %dma_wait3A_149 : memref<1x16x80x128xi32, #tpu.memory_space<hbm>> -> memref<16x80x128xi32, #tpu.memory_space<hbm>>
      %dma_wait3A_151 = arith.constant 0 : i32
      %dma_wait3A_152 = arith.constant 0 : i32
      %dma_wait3A_153 = tpu.memref_slice %dma_wait3A_150[%arg1, %dma_wait3A_151, %dma_wait3A_152] : memref<16x80x128xi32, #tpu.memory_space<hbm>> -> memref<1x80x128xi32, #tpu.memory_space<hbm>>
      %dma_wait3A_154 = tpu.memref_squeeze %dma_wait3A_153 : memref<1x80x128xi32, #tpu.memory_space<hbm>> -> memref<80x128xi32, #tpu.memory_space<hbm>>
      tpu.wait_dma2 semaphore(%run_scoped3A_119 : memref<!tpu.dma_semaphore, #tpu.memory_space<semaphore_mem>>) src(%dma_wait3A_154 : memref<80x128xi32, #tpu.memory_space<hbm>>) dst(%arg8 : memref<80x128xi32, #tpu.memory_space<vmem>>)
      tpu.yield
    }) : () -> ()
    %barrier3A = arith.constant 0 : index
    tpu.barrier barrier_id(%barrier3A)
    %dma_start3A = arith.constant 0 : i32
    %dma_start3A_1 = arith.constant 0 : i32
    %dma_start3A_2 = tpu.memref_slice %arg7[%dma_start3A, %dma_start3A_1] : memref<80x128xi32, #tpu.memory_space<vmem>> -> memref<1x128xi32, #tpu.memory_space<vmem>>
    %dma_start3A_3 = tpu.memref_squeeze %dma_start3A_2 : memref<1x128xi32, #tpu.memory_space<vmem>> -> memref<128xi32, #tpu.memory_space<vmem>>
    %dma_start3A_4 = arith.constant 0 : i32
    %dma_start3A_5 = arith.constant 0 : i32
    %dma_start3A_6 = tpu.memref_slice %arg2[%arg0, %dma_start3A_4, %dma_start3A_5] : memref<2x10000x128xf32, #tpu.memory_space<hbm>> -> memref<1x10000x128xf32, #tpu.memory_space<hbm>>
    %dma_start3A_7 = tpu.memref_squeeze %dma_start3A_6 : memref<1x10000x128xf32, #tpu.memory_space<hbm>> -> memref<10000x128xf32, #tpu.memory_space<hbm>>
    %dma_start3A_8 = arith.constant 0 : i32
    %dma_start3A_9 = arith.constant 0 : i32
    %dma_start3A_10 = tpu.memref_slice %dma_start3A_7[%dma_start3A_8, %dma_start3A_9] : memref<10000x128xf32, #tpu.memory_space<hbm>> -> memref<10000x128xf32, #tpu.memory_space<hbm>>
    tpu.enqueue_indirect_dma source(%dma_start3A_10 : memref<10000x128xf32, #tpu.memory_space<hbm>>) target(%arg9 : memref<128x128xf32, #tpu.memory_space<vmem>>) offsets(%dma_start3A_3 : memref<128xi32, #tpu.memory_space<vmem>>) semaphore(%arg14 : memref<!tpu.dma_semaphore, #tpu.memory_space<semaphore_mem>>)
    %dma_start3A_11 = arith.constant 1 : i32
    %dma_start3A_12 = arith.constant 0 : i32
    %dma_start3A_13 = tpu.memref_slice %arg7[%dma_start3A_11, %dma_start3A_12] : memref<80x128xi32, #tpu.memory_space<vmem>> -> memref<1x128xi32, #tpu.memory_space<vmem>>
    %dma_start3A_14 = tpu.memref_squeeze %dma_start3A_13 : memref<1x128xi32, #tpu.memory_space<vmem>> -> memref<128xi32, #tpu.memory_space<vmem>>
    %dma_start3A_15 = arith.constant 0 : i32
    %dma_start3A_16 = arith.constant 0 : i32
    %dma_start3A_17 = tpu.memref_slice %arg2[%arg0, %dma_start3A_15, %dma_start3A_16] : memref<2x10000x128xf32, #tpu.memory_space<hbm>> -> memref<1x10000x128xf32, #tpu.memory_space<hbm>>
    %dma_start3A_18 = tpu.memref_squeeze %dma_start3A_17 : memref<1x10000x128xf32, #tpu.memory_space<hbm>> -> memref<10000x128xf32, #tpu.memory_space<hbm>>
    %dma_start3A_19 = arith.constant 0 : i32
    %dma_start3A_20 = arith.constant 0 : i32
    %dma_start3A_21 = tpu.memref_slice %dma_start3A_18[%dma_start3A_19, %dma_start3A_20] : memref<10000x128xf32, #tpu.memory_space<hbm>> -> memref<10000x128xf32, #tpu.memory_space<hbm>>
    tpu.enqueue_indirect_dma source(%dma_start3A_21 : memref<10000x128xf32, #tpu.memory_space<hbm>>) target(%arg10 : memref<128x128xf32, #tpu.memory_space<vmem>>) offsets(%dma_start3A_14 : memref<128xi32, #tpu.memory_space<vmem>>) semaphore(%arg15 : memref<!tpu.dma_semaphore, #tpu.memory_space<semaphore_mem>>)
    %dma_start3A_22 = arith.constant 2 : i32
    %dma_start3A_23 = arith.constant 0 : i32
    %dma_start3A_24 = tpu.memref_slice %arg7[%dma_start3A_22, %dma_start3A_23] : memref<80x128xi32, #tpu.memory_space<vmem>> -> memref<1x128xi32, #tpu.memory_space<vmem>>
    %dma_start3A_25 = tpu.memref_squeeze %dma_start3A_24 : memref<1x128xi32, #tpu.memory_space<vmem>> -> memref<128xi32, #tpu.memory_space<vmem>>
    %dma_start3A_26 = arith.constant 0 : i32
    %dma_start3A_27 = arith.constant 0 : i32
    %dma_start3A_28 = tpu.memref_slice %arg2[%arg0, %dma_start3A_26, %dma_start3A_27] : memref<2x10000x128xf32, #tpu.memory_space<hbm>> -> memref<1x10000x128xf32, #tpu.memory_space<hbm>>
    %dma_start3A_29 = tpu.memref_squeeze %dma_start3A_28 : memref<1x10000x128xf32, #tpu.memory_space<hbm>> -> memref<10000x128xf32, #tpu.memory_space<hbm>>
    %dma_start3A_30 = arith.constant 0 : i32
    %dma_start3A_31 = arith.constant 0 : i32
    %dma_start3A_32 = tpu.memref_slice %dma_start3A_29[%dma_start3A_30, %dma_start3A_31] : memref<10000x128xf32, #tpu.memory_space<hbm>> -> memref<10000x128xf32, #tpu.memory_space<hbm>>
    tpu.enqueue_indirect_dma source(%dma_start3A_32 : memref<10000x128xf32, #tpu.memory_space<hbm>>) target(%arg11 : memref<128x128xf32, #tpu.memory_space<vmem>>) offsets(%dma_start3A_25 : memref<128xi32, #tpu.memory_space<vmem>>) semaphore(%arg16 : memref<!tpu.dma_semaphore, #tpu.memory_space<semaphore_mem>>)
    %dma_start3A_33 = arith.constant 3 : i32
    %dma_start3A_34 = arith.constant 0 : i32
    %dma_start3A_35 = tpu.memref_slice %arg7[%dma_start3A_33, %dma_start3A_34] : memref<80x128xi32, #tpu.memory_space<vmem>> -> memref<1x128xi32, #tpu.memory_space<vmem>>
    %dma_start3A_36 = tpu.memref_squeeze %dma_start3A_35 : memref<1x128xi32, #tpu.memory_space<vmem>> -> memref<128xi32, #tpu.memory_space<vmem>>
    %dma_start3A_37 = arith.constant 0 : i32
    %dma_start3A_38 = arith.constant 0 : i32
    %dma_start3A_39 = tpu.memref_slice %arg2[%arg0, %dma_start3A_37, %dma_start3A_38] : memref<2x10000x128xf32, #tpu.memory_space<hbm>> -> memref<1x10000x128xf32, #tpu.memory_space<hbm>>
    %dma_start3A_40 = tpu.memref_squeeze %dma_start3A_39 : memref<1x10000x128xf32, #tpu.memory_space<hbm>> -> memref<10000x128xf32, #tpu.memory_space<hbm>>
    %dma_start3A_41 = arith.constant 0 : i32
    %dma_start3A_42 = arith.constant 0 : i32
    %dma_start3A_43 = tpu.memref_slice %dma_start3A_40[%dma_start3A_41, %dma_start3A_42] : memref<10000x128xf32, #tpu.memory_space<hbm>> -> memref<10000x128xf32, #tpu.memory_space<hbm>>
    tpu.enqueue_indirect_dma source(%dma_start3A_43 : memref<10000x128xf32, #tpu.memory_space<hbm>>) target(%arg12 : memref<128x128xf32, #tpu.memory_space<vmem>>) offsets(%dma_start3A_36 : memref<128xi32, #tpu.memory_space<vmem>>) semaphore(%arg17 : memref<!tpu.dma_semaphore, #tpu.memory_space<semaphore_mem>>)
    %scan3A = arith.constant 0 : i32
    %scan3A_44 = arith.constant 20 : i32
    %scan3A_45 = arith.addi %scan3A, %scan3A_44 : i32
    %scan3A_46 = arith.constant 1 : i32
    scf.for %scan3A_119 = %scan3A to %scan3A_45 step %scan3A_46  : i32 {
      %mul3A_120 = arith.constant 4 : i32
      %mul3A_121 = arith.muli %scan3A_119, %mul3A_120 : i32
      %add3A = arith.constant 0 : i32
      %add3A_122 = arith.addi %add3A, %mul3A_121 : i32
      %add3A_123 = arith.constant 0 : i32
      %add3A_124 = arith.addi %add3A_122, %add3A_123 : i32
      %dma_wait3A = arith.constant 0 : i32
      %dma_wait3A_125 = tpu.memref_slice %arg7[%add3A_124, %dma_wait3A] : memref<80x128xi32, #tpu.memory_space<vmem>> -> memref<1x128xi32, #tpu.memory_space<vmem>>
      %dma_wait3A_126 = tpu.memref_squeeze %dma_wait3A_125 : memref<1x128xi32, #tpu.memory_space<vmem>> -> memref<128xi32, #tpu.memory_space<vmem>>
      %dma_wait3A_127 = arith.constant 0 : i32
      %dma_wait3A_128 = arith.constant 0 : i32
      %dma_wait3A_129 = tpu.memref_slice %arg2[%arg0, %dma_wait3A_127, %dma_wait3A_128] : memref<2x10000x128xf32, #tpu.memory_space<hbm>> -> memref<1x10000x128xf32, #tpu.memory_space<hbm>>
      %dma_wait3A_130 = tpu.memref_squeeze %dma_wait3A_129 : memref<1x10000x128xf32, #tpu.memory_space<hbm>> -> memref<10000x128xf32, #tpu.memory_space<hbm>>
      %dma_wait3A_131 = arith.constant 0 : i32
      %dma_wait3A_132 = arith.constant 0 : i32
      %dma_wait3A_133 = tpu.memref_slice %dma_wait3A_130[%dma_wait3A_131, %dma_wait3A_132] : memref<10000x128xf32, #tpu.memory_space<hbm>> -> memref<10000x128xf32, #tpu.memory_space<hbm>>
      tpu.wait_indirect_dma semaphore(%arg14 : memref<!tpu.dma_semaphore, #tpu.memory_space<semaphore_mem>>) src(%dma_wait3A_133 : memref<10000x128xf32, #tpu.memory_space<hbm>>) dst(%arg9 : memref<128x128xf32, #tpu.memory_space<vmem>>)
      %add3A_134 = arith.constant 4 : i32
      %add3A_135 = arith.addi %add3A_124, %add3A_134 : i32
      %lt3A_136 = arith.constant 80 : i32
      %lt3A_137 = arith.cmpi slt, %add3A_135, %lt3A_136 : i32
      %convert_element_type3A_138 = arith.extui %lt3A_137 : i1 to i32
      %cond3A_139 = arith.constant 0 : i32
      %cond3A_140 = arith.cmpi ne, %convert_element_type3A_138, %cond3A_139 : i32
      scf.if %cond3A_140 {
        %add3A_198 = arith.constant 4 : i32
        %add3A_199 = arith.addi %add3A_124, %add3A_198 : i32
        %dma_start3A_200 = arith.constant 0 : i32
        %dma_start3A_201 = tpu.memref_slice %arg7[%add3A_199, %dma_start3A_200] : memref<80x128xi32, #tpu.memory_space<vmem>> -> memref<1x128xi32, #tpu.memory_space<vmem>>
        %dma_start3A_202 = tpu.memref_squeeze %dma_start3A_201 : memref<1x128xi32, #tpu.memory_space<vmem>> -> memref<128xi32, #tpu.memory_space<vmem>>
        %dma_start3A_203 = arith.constant 0 : i32
        %dma_start3A_204 = arith.constant 0 : i32
        %dma_start3A_205 = tpu.memref_slice %arg2[%arg0, %dma_start3A_203, %dma_start3A_204] : memref<2x10000x128xf32, #tpu.memory_space<hbm>> -> memref<1x10000x128xf32, #tpu.memory_space<hbm>>
        %dma_start3A_206 = tpu.memref_squeeze %dma_start3A_205 : memref<1x10000x128xf32, #tpu.memory_space<hbm>> -> memref<10000x128xf32, #tpu.memory_space<hbm>>
        %dma_start3A_207 = arith.constant 0 : i32
        %dma_start3A_208 = arith.constant 0 : i32
        %dma_start3A_209 = tpu.memref_slice %dma_start3A_206[%dma_start3A_207, %dma_start3A_208] : memref<10000x128xf32, #tpu.memory_space<hbm>> -> memref<10000x128xf32, #tpu.memory_space<hbm>>
        tpu.enqueue_indirect_dma source(%dma_start3A_209 : memref<10000x128xf32, #tpu.memory_space<hbm>>) target(%arg9 : memref<128x128xf32, #tpu.memory_space<vmem>>) offsets(%dma_start3A_202 : memref<128xi32, #tpu.memory_space<vmem>>) semaphore(%arg14 : memref<!tpu.dma_semaphore, #tpu.memory_space<semaphore_mem>>)
      } else {
      }
      %add3A_141 = arith.constant 1 : i32
      %add3A_142 = arith.addi %add3A_122, %add3A_141 : i32
      %dma_wait3A_143 = arith.constant 0 : i32
      %dma_wait3A_144 = tpu.memref_slice %arg7[%add3A_142, %dma_wait3A_143] : memref<80x128xi32, #tpu.memory_space<vmem>> -> memref<1x128xi32, #tpu.memory_space<vmem>>
      %dma_wait3A_145 = tpu.memref_squeeze %dma_wait3A_144 : memref<1x128xi32, #tpu.memory_space<vmem>> -> memref<128xi32, #tpu.memory_space<vmem>>
      %dma_wait3A_146 = arith.constant 0 : i32
      %dma_wait3A_147 = arith.constant 0 : i32
      %dma_wait3A_148 = tpu.memref_slice %arg2[%arg0, %dma_wait3A_146, %dma_wait3A_147] : memref<2x10000x128xf32, #tpu.memory_space<hbm>> -> memref<1x10000x128xf32, #tpu.memory_space<hbm>>
      %dma_wait3A_149 = tpu.memref_squeeze %dma_wait3A_148 : memref<1x10000x128xf32, #tpu.memory_space<hbm>> -> memref<10000x128xf32, #tpu.memory_space<hbm>>
      %dma_wait3A_150 = arith.constant 0 : i32
      %dma_wait3A_151 = arith.constant 0 : i32
      %dma_wait3A_152 = tpu.memref_slice %dma_wait3A_149[%dma_wait3A_150, %dma_wait3A_151] : memref<10000x128xf32, #tpu.memory_space<hbm>> -> memref<10000x128xf32, #tpu.memory_space<hbm>>
      tpu.wait_indirect_dma semaphore(%arg15 : memref<!tpu.dma_semaphore, #tpu.memory_space<semaphore_mem>>) src(%dma_wait3A_152 : memref<10000x128xf32, #tpu.memory_space<hbm>>) dst(%arg10 : memref<128x128xf32, #tpu.memory_space<vmem>>)
      %add3A_153 = arith.constant 4 : i32
      %add3A_154 = arith.addi %add3A_142, %add3A_153 : i32
      %lt3A_155 = arith.constant 80 : i32
      %lt3A_156 = arith.cmpi slt, %add3A_154, %lt3A_155 : i32
      %convert_element_type3A_157 = arith.extui %lt3A_156 : i1 to i32
      %cond3A_158 = arith.constant 0 : i32
      %cond3A_159 = arith.cmpi ne, %convert_element_type3A_157, %cond3A_158 : i32
      scf.if %cond3A_159 {
        %add3A_198 = arith.constant 4 : i32
        %add3A_199 = arith.addi %add3A_142, %add3A_198 : i32
        %dma_start3A_200 = arith.constant 0 : i32
        %dma_start3A_201 = tpu.memref_slice %arg7[%add3A_199, %dma_start3A_200] : memref<80x128xi32, #tpu.memory_space<vmem>> -> memref<1x128xi32, #tpu.memory_space<vmem>>
        %dma_start3A_202 = tpu.memref_squeeze %dma_start3A_201 : memref<1x128xi32, #tpu.memory_space<vmem>> -> memref<128xi32, #tpu.memory_space<vmem>>
        %dma_start3A_203 = arith.constant 0 : i32
        %dma_start3A_204 = arith.constant 0 : i32
        %dma_start3A_205 = tpu.memref_slice %arg2[%arg0, %dma_start3A_203, %dma_start3A_204] : memref<2x10000x128xf32, #tpu.memory_space<hbm>> -> memref<1x10000x128xf32, #tpu.memory_space<hbm>>
        %dma_start3A_206 = tpu.memref_squeeze %dma_start3A_205 : memref<1x10000x128xf32, #tpu.memory_space<hbm>> -> memref<10000x128xf32, #tpu.memory_space<hbm>>
        %dma_start3A_207 = arith.constant 0 : i32
        %dma_start3A_208 = arith.constant 0 : i32
        %dma_start3A_209 = tpu.memref_slice %dma_start3A_206[%dma_start3A_207, %dma_start3A_208] : memref<10000x128xf32, #tpu.memory_space<hbm>> -> memref<10000x128xf32, #tpu.memory_space<hbm>>
        tpu.enqueue_indirect_dma source(%dma_start3A_209 : memref<10000x128xf32, #tpu.memory_space<hbm>>) target(%arg10 : memref<128x128xf32, #tpu.memory_space<vmem>>) offsets(%dma_start3A_202 : memref<128xi32, #tpu.memory_space<vmem>>) semaphore(%arg15 : memref<!tpu.dma_semaphore, #tpu.memory_space<semaphore_mem>>)
      } else {
      }
      %add3A_160 = arith.constant 2 : i32
      %add3A_161 = arith.addi %add3A_122, %add3A_160 : i32
      %dma_wait3A_162 = arith.constant 0 : i32
      %dma_wait3A_163 = tpu.memref_slice %arg7[%add3A_161, %dma_wait3A_162] : memref<80x128xi32, #tpu.memory_space<vmem>> -> memref<1x128xi32, #tpu.memory_space<vmem>>
      %dma_wait3A_164 = tpu.memref_squeeze %dma_wait3A_163 : memref<1x128xi32, #tpu.memory_space<vmem>> -> memref<128xi32, #tpu.memory_space<vmem>>
      %dma_wait3A_165 = arith.constant 0 : i32
      %dma_wait3A_166 = arith.constant 0 : i32
      %dma_wait3A_167 = tpu.memref_slice %arg2[%arg0, %dma_wait3A_165, %dma_wait3A_166] : memref<2x10000x128xf32, #tpu.memory_space<hbm>> -> memref<1x10000x128xf32, #tpu.memory_space<hbm>>
      %dma_wait3A_168 = tpu.memref_squeeze %dma_wait3A_167 : memref<1x10000x128xf32, #tpu.memory_space<hbm>> -> memref<10000x128xf32, #tpu.memory_space<hbm>>
      %dma_wait3A_169 = arith.constant 0 : i32
      %dma_wait3A_170 = arith.constant 0 : i32
      %dma_wait3A_171 = tpu.memref_slice %dma_wait3A_168[%dma_wait3A_169, %dma_wait3A_170] : memref<10000x128xf32, #tpu.memory_space<hbm>> -> memref<10000x128xf32, #tpu.memory_space<hbm>>
      tpu.wait_indirect_dma semaphore(%arg16 : memref<!tpu.dma_semaphore, #tpu.memory_space<semaphore_mem>>) src(%dma_wait3A_171 : memref<10000x128xf32, #tpu.memory_space<hbm>>) dst(%arg11 : memref<128x128xf32, #tpu.memory_space<vmem>>)
      %add3A_172 = arith.constant 4 : i32
      %add3A_173 = arith.addi %add3A_161, %add3A_172 : i32
      %lt3A_174 = arith.constant 80 : i32
      %lt3A_175 = arith.cmpi slt, %add3A_173, %lt3A_174 : i32
      %convert_element_type3A_176 = arith.extui %lt3A_175 : i1 to i32
      %cond3A_177 = arith.constant 0 : i32
      %cond3A_178 = arith.cmpi ne, %convert_element_type3A_176, %cond3A_177 : i32
      scf.if %cond3A_178 {
        %add3A_198 = arith.constant 4 : i32
        %add3A_199 = arith.addi %add3A_161, %add3A_198 : i32
        %dma_start3A_200 = arith.constant 0 : i32
        %dma_start3A_201 = tpu.memref_slice %arg7[%add3A_199, %dma_start3A_200] : memref<80x128xi32, #tpu.memory_space<vmem>> -> memref<1x128xi32, #tpu.memory_space<vmem>>
        %dma_start3A_202 = tpu.memref_squeeze %dma_start3A_201 : memref<1x128xi32, #tpu.memory_space<vmem>> -> memref<128xi32, #tpu.memory_space<vmem>>
        %dma_start3A_203 = arith.constant 0 : i32
        %dma_start3A_204 = arith.constant 0 : i32
        %dma_start3A_205 = tpu.memref_slice %arg2[%arg0, %dma_start3A_203, %dma_start3A_204] : memref<2x10000x128xf32, #tpu.memory_space<hbm>> -> memref<1x10000x128xf32, #tpu.memory_space<hbm>>
        %dma_start3A_206 = tpu.memref_squeeze %dma_start3A_205 : memref<1x10000x128xf32, #tpu.memory_space<hbm>> -> memref<10000x128xf32, #tpu.memory_space<hbm>>
        %dma_start3A_207 = arith.constant 0 : i32
        %dma_start3A_208 = arith.constant 0 : i32
        %dma_start3A_209 = tpu.memref_slice %dma_start3A_206[%dma_start3A_207, %dma_start3A_208] : memref<10000x128xf32, #tpu.memory_space<hbm>> -> memref<10000x128xf32, #tpu.memory_space<hbm>>
        tpu.enqueue_indirect_dma source(%dma_start3A_209 : memref<10000x128xf32, #tpu.memory_space<hbm>>) target(%arg11 : memref<128x128xf32, #tpu.memory_space<vmem>>) offsets(%dma_start3A_202 : memref<128xi32, #tpu.memory_space<vmem>>) semaphore(%arg16 : memref<!tpu.dma_semaphore, #tpu.memory_space<semaphore_mem>>)
      } else {
      }
      %add3A_179 = arith.constant 3 : i32
      %add3A_180 = arith.addi %add3A_122, %add3A_179 : i32
      %dma_wait3A_181 = arith.constant 0 : i32
      %dma_wait3A_182 = tpu.memref_slice %arg7[%add3A_180, %dma_wait3A_181] : memref<80x128xi32, #tpu.memory_space<vmem>> -> memref<1x128xi32, #tpu.memory_space<vmem>>
      %dma_wait3A_183 = tpu.memref_squeeze %dma_wait3A_182 : memref<1x128xi32, #tpu.memory_space<vmem>> -> memref<128xi32, #tpu.memory_space<vmem>>
      %dma_wait3A_184 = arith.constant 0 : i32
      %dma_wait3A_185 = arith.constant 0 : i32
      %dma_wait3A_186 = tpu.memref_slice %arg2[%arg0, %dma_wait3A_184, %dma_wait3A_185] : memref<2x10000x128xf32, #tpu.memory_space<hbm>> -> memref<1x10000x128xf32, #tpu.memory_space<hbm>>
      %dma_wait3A_187 = tpu.memref_squeeze %dma_wait3A_186 : memref<1x10000x128xf32, #tpu.memory_space<hbm>> -> memref<10000x128xf32, #tpu.memory_space<hbm>>
      %dma_wait3A_188 = arith.constant 0 : i32
      %dma_wait3A_189 = arith.constant 0 : i32
      %dma_wait3A_190 = tpu.memref_slice %dma_wait3A_187[%dma_wait3A_188, %dma_wait3A_189] : memref<10000x128xf32, #tpu.memory_space<hbm>> -> memref<10000x128xf32, #tpu.memory_space<hbm>>
      tpu.wait_indirect_dma semaphore(%arg17 : memref<!tpu.dma_semaphore, #tpu.memory_space<semaphore_mem>>) src(%dma_wait3A_190 : memref<10000x128xf32, #tpu.memory_space<hbm>>) dst(%arg12 : memref<128x128xf32, #tpu.memory_space<vmem>>)
      %add3A_191 = arith.constant 4 : i32
      %add3A_192 = arith.addi %add3A_180, %add3A_191 : i32
      %lt3A_193 = arith.constant 80 : i32
      %lt3A_194 = arith.cmpi slt, %add3A_192, %lt3A_193 : i32
      %convert_element_type3A_195 = arith.extui %lt3A_194 : i1 to i32
      %cond3A_196 = arith.constant 0 : i32
      %cond3A_197 = arith.cmpi ne, %convert_element_type3A_195, %cond3A_196 : i32
      scf.if %cond3A_197 {
        %add3A_198 = arith.constant 4 : i32
        %add3A_199 = arith.addi %add3A_180, %add3A_198 : i32
        %dma_start3A_200 = arith.constant 0 : i32
        %dma_start3A_201 = tpu.memref_slice %arg7[%add3A_199, %dma_start3A_200] : memref<80x128xi32, #tpu.memory_space<vmem>> -> memref<1x128xi32, #tpu.memory_space<vmem>>
        %dma_start3A_202 = tpu.memref_squeeze %dma_start3A_201 : memref<1x128xi32, #tpu.memory_space<vmem>> -> memref<128xi32, #tpu.memory_space<vmem>>
        %dma_start3A_203 = arith.constant 0 : i32
        %dma_start3A_204 = arith.constant 0 : i32
        %dma_start3A_205 = tpu.memref_slice %arg2[%arg0, %dma_start3A_203, %dma_start3A_204] : memref<2x10000x128xf32, #tpu.memory_space<hbm>> -> memref<1x10000x128xf32, #tpu.memory_space<hbm>>
        %dma_start3A_206 = tpu.memref_squeeze %dma_start3A_205 : memref<1x10000x128xf32, #tpu.memory_space<hbm>> -> memref<10000x128xf32, #tpu.memory_space<hbm>>
        %dma_start3A_207 = arith.constant 0 : i32
        %dma_start3A_208 = arith.constant 0 : i32
        %dma_start3A_209 = tpu.memref_slice %dma_start3A_206[%dma_start3A_207, %dma_start3A_208] : memref<10000x128xf32, #tpu.memory_space<hbm>> -> memref<10000x128xf32, #tpu.memory_space<hbm>>
        tpu.enqueue_indirect_dma source(%dma_start3A_209 : memref<10000x128xf32, #tpu.memory_space<hbm>>) target(%arg12 : memref<128x128xf32, #tpu.memory_space<vmem>>) offsets(%dma_start3A_202 : memref<128xi32, #tpu.memory_space<vmem>>) semaphore(%arg17 : memref<!tpu.dma_semaphore, #tpu.memory_space<semaphore_mem>>)
      } else {
      }
    }
    %scan3A_47 = arith.constant 20 : i32
    %barrier3A_48 = arith.constant 0 : index
    tpu.barrier barrier_id(%barrier3A_48)
    %lt3A = arith.constant 15 : i32
    %lt3A_49 = arith.cmpi slt, %arg1, %lt3A : i32
    %convert_element_type3A = arith.extui %lt3A_49 : i1 to i32
    %cond3A = arith.constant 0 : i32
    %cond3A_50 = arith.cmpi ne, %convert_element_type3A, %cond3A : i32
    scf.if %cond3A_50 {
      %add3A = arith.constant 0 : i32
      %add3A_119 = arith.addi %add3A, %mul3A_0 : i32
      "tpu.region"() ({
        %run_scoped3A_120 = tpu.sem_alloc : memref<!tpu.dma_semaphore, #tpu.memory_space<semaphore_mem>>
        %dma_start3A_121 = arith.constant 0 : i32
        %dma_start3A_122 = arith.constant 0 : i32
        %dma_start3A_123 = tpu.memref_slice %arg6[%arg0, %dma_start3A_121, %dma_start3A_122] : memref<2x10000x128xf32, #tpu.memory_space<hbm>> -> memref<1x10000x128xf32, #tpu.memory_space<hbm>>
        %dma_start3A_124 = tpu.memref_squeeze %dma_start3A_123 : memref<1x10000x128xf32, #tpu.memory_space<hbm>> -> memref<10000x128xf32, #tpu.memory_space<hbm>>
        %dma_start3A_125 = arith.constant 0 : i32
        %dma_start3A_126 = tpu.memref_slice %dma_start3A_124[%add3A_119, %dma_start3A_125] : memref<10000x128xf32, #tpu.memory_space<hbm>> -> memref<320x128xf32, #tpu.memory_space<hbm>>
        %dma_start3A_127 = arith.constant 0 : i32
        %dma_start3A_128 = tpu.memref_slice %arg13[%mul3A_0, %dma_start3A_127] : memref<5120x128xf32, #tpu.memory_space<vmem_shared>> -> memref<320x128xf32, #tpu.memory_space<vmem_shared>>
        tpu.enqueue_dma source(%dma_start3A_128 : memref<320x128xf32, #tpu.memory_space<vmem_shared>>) target(%dma_start3A_126 : memref<320x128xf32, #tpu.memory_space<hbm>>) target_semaphore(%run_scoped3A_120 : memref<!tpu.dma_semaphore, #tpu.memory_space<semaphore_mem>>)
        %dma_wait3A = arith.constant 0 : i32
        %dma_wait3A_129 = arith.constant 0 : i32
        %dma_wait3A_130 = tpu.memref_slice %arg6[%arg0, %dma_wait3A, %dma_wait3A_129] : memref<2x10000x128xf32, #tpu.memory_space<hbm>> -> memref<1x10000x128xf32, #tpu.memory_space<hbm>>
        %dma_wait3A_131 = tpu.memref_squeeze %dma_wait3A_130 : memref<1x10000x128xf32, #tpu.memory_space<hbm>> -> memref<10000x128xf32, #tpu.memory_space<hbm>>
        %dma_wait3A_132 = arith.constant 0 : i32
        %dma_wait3A_133 = tpu.memref_slice %dma_wait3A_131[%add3A_119, %dma_wait3A_132] : memref<10000x128xf32, #tpu.memory_space<hbm>> -> memref<320x128xf32, #tpu.memory_space<hbm>>
        %dma_wait3A_134 = arith.constant 0 : i32
        %dma_wait3A_135 = tpu.memref_slice %arg13[%mul3A_0, %dma_wait3A_134] : memref<5120x128xf32, #tpu.memory_space<vmem_shared>> -> memref<320x128xf32, #tpu.memory_space<vmem_shared>>
        tpu.wait_dma2 semaphore(%run_scoped3A_120 : memref<!tpu.dma_semaphore, #tpu.memory_space<semaphore_mem>>) src(%dma_wait3A_135 : memref<320x128xf32, #tpu.memory_space<vmem_shared>>) dst(%dma_wait3A_133 : memref<320x128xf32, #tpu.memory_space<hbm>>)
        tpu.yield
      }) : () -> ()
    } else {
    }
    %eq3A = arith.constant 15 : i32
    %eq3A_51 = arith.cmpi eq, %arg1, %eq3A : i32
    %convert_element_type3A_52 = arith.extui %eq3A_51 : i1 to i32
    %cond3A_53 = arith.constant 0 : i32
    %cond3A_54 = arith.cmpi ne, %convert_element_type3A_52, %cond3A_53 : i32
    scf.if %cond3A_54 {
      %add3A = arith.constant 0 : i32
      %add3A_119 = arith.addi %add3A, %mul3A_0 : i32
      "tpu.region"() ({
        %run_scoped3A_120 = tpu.sem_alloc : memref<!tpu.dma_semaphore, #tpu.memory_space<semaphore_mem>>
        %dma_start3A_121 = arith.constant 0 : i32
        %dma_start3A_122 = arith.constant 0 : i32
        %dma_start3A_123 = tpu.memref_slice %arg6[%arg0, %dma_start3A_121, %dma_start3A_122] : memref<2x10000x128xf32, #tpu.memory_space<hbm>> -> memref<1x10000x128xf32, #tpu.memory_space<hbm>>
        %dma_start3A_124 = tpu.memref_squeeze %dma_start3A_123 : memref<1x10000x128xf32, #tpu.memory_space<hbm>> -> memref<10000x128xf32, #tpu.memory_space<hbm>>
        %dma_start3A_125 = arith.constant 0 : i32
        %dma_start3A_126 = tpu.memref_slice %dma_start3A_124[%add3A_119, %dma_start3A_125] : memref<10000x128xf32, #tpu.memory_space<hbm>> -> memref<200x128xf32, #tpu.memory_space<hbm>>
        %dma_start3A_127 = arith.constant 0 : i32
        %dma_start3A_128 = tpu.memref_slice %arg13[%mul3A_0, %dma_start3A_127] : memref<5120x128xf32, #tpu.memory_space<vmem_shared>> -> memref<200x128xf32, #tpu.memory_space<vmem_shared>>
        tpu.enqueue_dma source(%dma_start3A_128 : memref<200x128xf32, #tpu.memory_space<vmem_shared>>) target(%dma_start3A_126 : memref<200x128xf32, #tpu.memory_space<hbm>>) target_semaphore(%run_scoped3A_120 : memref<!tpu.dma_semaphore, #tpu.memory_space<semaphore_mem>>)
        %dma_wait3A = arith.constant 0 : i32
        %dma_wait3A_129 = arith.constant 0 : i32
        %dma_wait3A_130 = tpu.memref_slice %arg6[%arg0, %dma_wait3A, %dma_wait3A_129] : memref<2x10000x128xf32, #tpu.memory_space<hbm>> -> memref<1x10000x128xf32, #tpu.memory_space<hbm>>
        %dma_wait3A_131 = tpu.memref_squeeze %dma_wait3A_130 : memref<1x10000x128xf32, #tpu.memory_space<hbm>> -> memref<10000x128xf32, #tpu.memory_space<hbm>>
        %dma_wait3A_132 = arith.constant 0 : i32
        %dma_wait3A_133 = tpu.memref_slice %dma_wait3A_131[%add3A_119, %dma_wait3A_132] : memref<10000x128xf32, #tpu.memory_space<hbm>> -> memref<200x128xf32, #tpu.memory_space<hbm>>
        %dma_wait3A_134 = arith.constant 0 : i32
        %dma_wait3A_135 = tpu.memref_slice %arg13[%mul3A_0, %dma_wait3A_134] : memref<5120x128xf32, #tpu.memory_space<vmem_shared>> -> memref<200x128xf32, #tpu.memory_space<vmem_shared>>
        tpu.wait_dma2 semaphore(%run_scoped3A_120 : memref<!tpu.dma_semaphore, #tpu.memory_space<semaphore_mem>>) src(%dma_wait3A_135 : memref<200x128xf32, #tpu.memory_space<vmem_shared>>) dst(%dma_wait3A_133 : memref<200x128xf32, #tpu.memory_space<hbm>>)
        tpu.yield
      }) : () -> ()
    } else {
    }
    %barrier3A_55 = arith.constant 0 : index
    tpu.barrier barrier_id(%barrier3A_55)
    "tpu.region"() ({
      %run_scoped3A_119 = tpu.sem_alloc : memref<!tpu.dma_semaphore, #tpu.memory_space<semaphore_mem>>
      %dma_start3A_120 = arith.constant 0 : i32
      %dma_start3A_121 = tpu.memref_slice %arg13[%mul3A_0, %dma_start3A_120] : memref<5120x128xf32, #tpu.memory_space<vmem_shared>> -> memref<320x128xf32, #tpu.memory_space<vmem_shared>>
      tpu.enqueue_dma source(%arg5 : memref<320x128xf32, #tpu.memory_space<hbm>>) target(%dma_start3A_121 : memref<320x128xf32, #tpu.memory_space<vmem_shared>>) target_semaphore(%run_scoped3A_119 : memref<!tpu.dma_semaphore, #tpu.memory_space<semaphore_mem>>)
      %dma_wait3A = arith.constant 0 : i32
      %dma_wait3A_122 = tpu.memref_slice %arg13[%mul3A_0, %dma_wait3A] : memref<5120x128xf32, #tpu.memory_space<vmem_shared>> -> memref<320x128xf32, #tpu.memory_space<vmem_shared>>
      tpu.wait_dma2 semaphore(%run_scoped3A_119 : memref<!tpu.dma_semaphore, #tpu.memory_space<semaphore_mem>>) src(%arg5 : memref<320x128xf32, #tpu.memory_space<hbm>>) dst(%dma_wait3A_122 : memref<320x128xf32, #tpu.memory_space<vmem_shared>>)
      tpu.yield
    }) : () -> ()
    %run_scoped3A_56 = arith.constant 1 : i32
    "tpu.region"() ({
      %run_scoped3A_119 = tpu.sem_alloc : memref<!tpu.dma_semaphore, #tpu.memory_space<semaphore_mem>>
      %dma_start3A_120 = arith.constant 0 : i32
      %dma_start3A_121 = arith.constant 0 : i32
      %dma_start3A_122 = arith.constant 0 : i32
      %dma_start3A_123 = tpu.memref_slice %arg4[%run_scoped3A_56, %dma_start3A_120, %dma_start3A_121, %dma_start3A_122] : memref<2x16x80x128xi32, #tpu.memory_space<hbm>> -> memref<1x16x80x128xi32, #tpu.memory_space<hbm>>
      %dma_start3A_124 = tpu.memref_squeeze %dma_start3A_123 : memref<1x16x80x128xi32, #tpu.memory_space<hbm>> -> memref<16x80x128xi32, #tpu.memory_space<hbm>>
      %dma_start3A_125 = arith.constant 0 : i32
      %dma_start3A_126 = arith.constant 0 : i32
      %dma_start3A_127 = tpu.memref_slice %dma_start3A_124[%arg1, %dma_start3A_125, %dma_start3A_126] : memref<16x80x128xi32, #tpu.memory_space<hbm>> -> memref<1x80x128xi32, #tpu.memory_space<hbm>>
      %dma_start3A_128 = tpu.memref_squeeze %dma_start3A_127 : memref<1x80x128xi32, #tpu.memory_space<hbm>> -> memref<80x128xi32, #tpu.memory_space<hbm>>
      %dma_start3A_129 = arith.constant 0 : i32
      %dma_start3A_130 = arith.constant 0 : i32
      %dma_start3A_131 = arith.constant 0 : i32
      %dma_start3A_132 = tpu.memref_slice %arg4[%run_scoped3A_56, %dma_start3A_129, %dma_start3A_130, %dma_start3A_131] : memref<2x16x80x128xi32, #tpu.memory_space<hbm>> -> memref<1x16x80x128xi32, #tpu.memory_space<hbm>>
      %dma_start3A_133 = tpu.memref_squeeze %dma_start3A_132 : memref<1x16x80x128xi32, #tpu.memory_space<hbm>> -> memref<16x80x128xi32, #tpu.memory_space<hbm>>
      %dma_start3A_134 = arith.constant 0 : i32
      %dma_start3A_135 = arith.constant 0 : i32
      %dma_start3A_136 = tpu.memref_slice %dma_start3A_133[%arg1, %dma_start3A_134, %dma_start3A_135] : memref<16x80x128xi32, #tpu.memory_space<hbm>> -> memref<1x80x128xi32, #tpu.memory_space<hbm>>
      %dma_start3A_137 = tpu.memref_squeeze %dma_start3A_136 : memref<1x80x128xi32, #tpu.memory_space<hbm>> -> memref<80x128xi32, #tpu.memory_space<hbm>>
      tpu.enqueue_dma source(%dma_start3A_137 : memref<80x128xi32, #tpu.memory_space<hbm>>) target(%arg8 : memref<80x128xi32, #tpu.memory_space<vmem>>) target_semaphore(%run_scoped3A_119 : memref<!tpu.dma_semaphore, #tpu.memory_space<semaphore_mem>>)
      %dma_wait3A = arith.constant 0 : i32
      %dma_wait3A_138 = arith.constant 0 : i32
      %dma_wait3A_139 = arith.constant 0 : i32
      %dma_wait3A_140 = tpu.memref_slice %arg4[%run_scoped3A_56, %dma_wait3A, %dma_wait3A_138, %dma_wait3A_139] : memref<2x16x80x128xi32, #tpu.memory_space<hbm>> -> memref<1x16x80x128xi32, #tpu.memory_space<hbm>>
      %dma_wait3A_141 = tpu.memref_squeeze %dma_wait3A_140 : memref<1x16x80x128xi32, #tpu.memory_space<hbm>> -> memref<16x80x128xi32, #tpu.memory_space<hbm>>
      %dma_wait3A_142 = arith.constant 0 : i32
      %dma_wait3A_143 = arith.constant 0 : i32
      %dma_wait3A_144 = tpu.memref_slice %dma_wait3A_141[%arg1, %dma_wait3A_142, %dma_wait3A_143] : memref<16x80x128xi32, #tpu.memory_space<hbm>> -> memref<1x80x128xi32, #tpu.memory_space<hbm>>
      %dma_wait3A_145 = tpu.memref_squeeze %dma_wait3A_144 : memref<1x80x128xi32, #tpu.memory_space<hbm>> -> memref<80x128xi32, #tpu.memory_space<hbm>>
      %dma_wait3A_146 = arith.constant 0 : i32
      %dma_wait3A_147 = arith.constant 0 : i32
      %dma_wait3A_148 = arith.constant 0 : i32
      %dma_wait3A_149 = tpu.memref_slice %arg4[%run_scoped3A_56, %dma_wait3A_146, %dma_wait3A_147, %dma_wait3A_148] : memref<2x16x80x128xi32, #tpu.memory_space<hbm>> -> memref<1x16x80x128xi32, #tpu.memory_space<hbm>>
      %dma_wait3A_150 = tpu.memref_squeeze %dma_wait3A_149 : memref<1x16x80x128xi32, #tpu.memory_space<hbm>> -> memref<16x80x128xi32, #tpu.memory_space<hbm>>
      %dma_wait3A_151 = arith.constant 0 : i32
      %dma_wait3A_152 = arith.constant 0 : i32
      %dma_wait3A_153 = tpu.memref_slice %dma_wait3A_150[%arg1, %dma_wait3A_151, %dma_wait3A_152] : memref<16x80x128xi32, #tpu.memory_space<hbm>> -> memref<1x80x128xi32, #tpu.memory_space<hbm>>
      %dma_wait3A_154 = tpu.memref_squeeze %dma_wait3A_153 : memref<1x80x128xi32, #tpu.memory_space<hbm>> -> memref<80x128xi32, #tpu.memory_space<hbm>>
      tpu.wait_dma2 semaphore(%run_scoped3A_119 : memref<!tpu.dma_semaphore, #tpu.memory_space<semaphore_mem>>) src(%dma_wait3A_154 : memref<80x128xi32, #tpu.memory_space<hbm>>) dst(%arg8 : memref<80x128xi32, #tpu.memory_space<vmem>>)
      tpu.yield
    }) : () -> ()
    %barrier3A_57 = arith.constant 0 : index
    tpu.barrier barrier_id(%barrier3A_57)
    %dma_start3A_58 = arith.constant 0 : i32
    %dma_start3A_59 = arith.constant 0 : i32
    %dma_start3A_60 = tpu.memref_slice %arg7[%dma_start3A_58, %dma_start3A_59] : memref<80x128xi32, #tpu.memory_space<vmem>> -> memref<1x128xi32, #tpu.memory_space<vmem>>
    %dma_start3A_61 = tpu.memref_squeeze %dma_start3A_60 : memref<1x128xi32, #tpu.memory_space<vmem>> -> memref<128xi32, #tpu.memory_space<vmem>>
    %dma_start3A_62 = arith.constant 0 : i32
    %dma_start3A_63 = arith.constant 0 : i32
    %dma_start3A_64 = tpu.memref_slice %arg2[%arg0, %dma_start3A_62, %dma_start3A_63] : memref<2x10000x128xf32, #tpu.memory_space<hbm>> -> memref<1x10000x128xf32, #tpu.memory_space<hbm>>
    %dma_start3A_65 = tpu.memref_squeeze %dma_start3A_64 : memref<1x10000x128xf32, #tpu.memory_space<hbm>> -> memref<10000x128xf32, #tpu.memory_space<hbm>>
    %dma_start3A_66 = arith.constant 0 : i32
    %dma_start3A_67 = arith.constant 0 : i32
    %dma_start3A_68 = tpu.memref_slice %dma_start3A_65[%dma_start3A_66, %dma_start3A_67] : memref<10000x128xf32, #tpu.memory_space<hbm>> -> memref<10000x128xf32, #tpu.memory_space<hbm>>
    tpu.enqueue_indirect_dma source(%dma_start3A_68 : memref<10000x128xf32, #tpu.memory_space<hbm>>) target(%arg9 : memref<128x128xf32, #tpu.memory_space<vmem>>) offsets(%dma_start3A_61 : memref<128xi32, #tpu.memory_space<vmem>>) semaphore(%arg14 : memref<!tpu.dma_semaphore, #tpu.memory_space<semaphore_mem>>)
    %dma_start3A_69 = arith.constant 1 : i32
    %dma_start3A_70 = arith.constant 0 : i32
    %dma_start3A_71 = tpu.memref_slice %arg7[%dma_start3A_69, %dma_start3A_70] : memref<80x128xi32, #tpu.memory_space<vmem>> -> memref<1x128xi32, #tpu.memory_space<vmem>>
    %dma_start3A_72 = tpu.memref_squeeze %dma_start3A_71 : memref<1x128xi32, #tpu.memory_space<vmem>> -> memref<128xi32, #tpu.memory_space<vmem>>
    %dma_start3A_73 = arith.constant 0 : i32
    %dma_start3A_74 = arith.constant 0 : i32
    %dma_start3A_75 = tpu.memref_slice %arg2[%arg0, %dma_start3A_73, %dma_start3A_74] : memref<2x10000x128xf32, #tpu.memory_space<hbm>> -> memref<1x10000x128xf32, #tpu.memory_space<hbm>>
    %dma_start3A_76 = tpu.memref_squeeze %dma_start3A_75 : memref<1x10000x128xf32, #tpu.memory_space<hbm>> -> memref<10000x128xf32, #tpu.memory_space<hbm>>
    %dma_start3A_77 = arith.constant 0 : i32
    %dma_start3A_78 = arith.constant 0 : i32
    %dma_start3A_79 = tpu.memref_slice %dma_start3A_76[%dma_start3A_77, %dma_start3A_78] : memref<10000x128xf32, #tpu.memory_space<hbm>> -> memref<10000x128xf32, #tpu.memory_space<hbm>>
    tpu.enqueue_indirect_dma source(%dma_start3A_79 : memref<10000x128xf32, #tpu.memory_space<hbm>>) target(%arg10 : memref<128x128xf32, #tpu.memory_space<vmem>>) offsets(%dma_start3A_72 : memref<128xi32, #tpu.memory_space<vmem>>) semaphore(%arg15 : memref<!tpu.dma_semaphore, #tpu.memory_space<semaphore_mem>>)
    %dma_start3A_80 = arith.constant 2 : i32
    %dma_start3A_81 = arith.constant 0 : i32
    %dma_start3A_82 = tpu.memref_slice %arg7[%dma_start3A_80, %dma_start3A_81] : memref<80x128xi32, #tpu.memory_space<vmem>> -> memref<1x128xi32, #tpu.memory_space<vmem>>
    %dma_start3A_83 = tpu.memref_squeeze %dma_start3A_82 : memref<1x128xi32, #tpu.memory_space<vmem>> -> memref<128xi32, #tpu.memory_space<vmem>>
    %dma_start3A_84 = arith.constant 0 : i32
    %dma_start3A_85 = arith.constant 0 : i32
    %dma_start3A_86 = tpu.memref_slice %arg2[%arg0, %dma_start3A_84, %dma_start3A_85] : memref<2x10000x128xf32, #tpu.memory_space<hbm>> -> memref<1x10000x128xf32, #tpu.memory_space<hbm>>
    %dma_start3A_87 = tpu.memref_squeeze %dma_start3A_86 : memref<1x10000x128xf32, #tpu.memory_space<hbm>> -> memref<10000x128xf32, #tpu.memory_space<hbm>>
    %dma_start3A_88 = arith.constant 0 : i32
    %dma_start3A_89 = arith.constant 0 : i32
    %dma_start3A_90 = tpu.memref_slice %dma_start3A_87[%dma_start3A_88, %dma_start3A_89] : memref<10000x128xf32, #tpu.memory_space<hbm>> -> memref<10000x128xf32, #tpu.memory_space<hbm>>
    tpu.enqueue_indirect_dma source(%dma_start3A_90 : memref<10000x128xf32, #tpu.memory_space<hbm>>) target(%arg11 : memref<128x128xf32, #tpu.memory_space<vmem>>) offsets(%dma_start3A_83 : memref<128xi32, #tpu.memory_space<vmem>>) semaphore(%arg16 : memref<!tpu.dma_semaphore, #tpu.memory_space<semaphore_mem>>)
    %dma_start3A_91 = arith.constant 3 : i32
    %dma_start3A_92 = arith.constant 0 : i32
    %dma_start3A_93 = tpu.memref_slice %arg7[%dma_start3A_91, %dma_start3A_92] : memref<80x128xi32, #tpu.memory_space<vmem>> -> memref<1x128xi32, #tpu.memory_space<vmem>>
    %dma_start3A_94 = tpu.memref_squeeze %dma_start3A_93 : memref<1x128xi32, #tpu.memory_space<vmem>> -> memref<128xi32, #tpu.memory_space<vmem>>
    %dma_start3A_95 = arith.constant 0 : i32
    %dma_start3A_96 = arith.constant 0 : i32
    %dma_start3A_97 = tpu.memref_slice %arg2[%arg0, %dma_start3A_95, %dma_start3A_96] : memref<2x10000x128xf32, #tpu.memory_space<hbm>> -> memref<1x10000x128xf32, #tpu.memory_space<hbm>>
    %dma_start3A_98 = tpu.memref_squeeze %dma_start3A_97 : memref<1x10000x128xf32, #tpu.memory_space<hbm>> -> memref<10000x128xf32, #tpu.memory_space<hbm>>
    %dma_start3A_99 = arith.constant 0 : i32
    %dma_start3A_100 = arith.constant 0 : i32
    %dma_start3A_101 = tpu.memref_slice %dma_start3A_98[%dma_start3A_99, %dma_start3A_100] : memref<10000x128xf32, #tpu.memory_space<hbm>> -> memref<10000x128xf32, #tpu.memory_space<hbm>>
    tpu.enqueue_indirect_dma source(%dma_start3A_101 : memref<10000x128xf32, #tpu.memory_space<hbm>>) target(%arg12 : memref<128x128xf32, #tpu.memory_space<vmem>>) offsets(%dma_start3A_94 : memref<128xi32, #tpu.memory_space<vmem>>) semaphore(%arg17 : memref<!tpu.dma_semaphore, #tpu.memory_space<semaphore_mem>>)
    %scan3A_102 = arith.constant 0 : i32
    %scan3A_103 = arith.constant 20 : i32
    %scan3A_104 = arith.addi %scan3A_102, %scan3A_103 : i32
    %scan3A_105 = arith.constant 1 : i32
    scf.for %scan3A_119 = %scan3A_102 to %scan3A_104 step %scan3A_105  : i32 {
      %mul3A_120 = arith.constant 4 : i32
      %mul3A_121 = arith.muli %scan3A_119, %mul3A_120 : i32
      %add3A = arith.constant 0 : i32
      %add3A_122 = arith.addi %add3A, %mul3A_121 : i32
      %add3A_123 = arith.constant 0 : i32
      %add3A_124 = arith.addi %add3A_122, %add3A_123 : i32
      %dma_wait3A = arith.constant 0 : i32
      %dma_wait3A_125 = tpu.memref_slice %arg7[%add3A_124, %dma_wait3A] : memref<80x128xi32, #tpu.memory_space<vmem>> -> memref<1x128xi32, #tpu.memory_space<vmem>>
      %dma_wait3A_126 = tpu.memref_squeeze %dma_wait3A_125 : memref<1x128xi32, #tpu.memory_space<vmem>> -> memref<128xi32, #tpu.memory_space<vmem>>
      %dma_wait3A_127 = arith.constant 0 : i32
      %dma_wait3A_128 = arith.constant 0 : i32
      %dma_wait3A_129 = tpu.memref_slice %arg2[%arg0, %dma_wait3A_127, %dma_wait3A_128] : memref<2x10000x128xf32, #tpu.memory_space<hbm>> -> memref<1x10000x128xf32, #tpu.memory_space<hbm>>
      %dma_wait3A_130 = tpu.memref_squeeze %dma_wait3A_129 : memref<1x10000x128xf32, #tpu.memory_space<hbm>> -> memref<10000x128xf32, #tpu.memory_space<hbm>>
      %dma_wait3A_131 = arith.constant 0 : i32
      %dma_wait3A_132 = arith.constant 0 : i32
      %dma_wait3A_133 = tpu.memref_slice %dma_wait3A_130[%dma_wait3A_131, %dma_wait3A_132] : memref<10000x128xf32, #tpu.memory_space<hbm>> -> memref<10000x128xf32, #tpu.memory_space<hbm>>
      tpu.wait_indirect_dma semaphore(%arg14 : memref<!tpu.dma_semaphore, #tpu.memory_space<semaphore_mem>>) src(%dma_wait3A_133 : memref<10000x128xf32, #tpu.memory_space<hbm>>) dst(%arg9 : memref<128x128xf32, #tpu.memory_space<vmem>>)
      %add3A_134 = arith.constant 4 : i32
      %add3A_135 = arith.addi %add3A_124, %add3A_134 : i32
      %lt3A_136 = arith.constant 80 : i32
      %lt3A_137 = arith.cmpi slt, %add3A_135, %lt3A_136 : i32
      %convert_element_type3A_138 = arith.extui %lt3A_137 : i1 to i32
      %cond3A_139 = arith.constant 0 : i32
      %cond3A_140 = arith.cmpi ne, %convert_element_type3A_138, %cond3A_139 : i32
      scf.if %cond3A_140 {
        %add3A_198 = arith.constant 4 : i32
        %add3A_199 = arith.addi %add3A_124, %add3A_198 : i32
        %dma_start3A_200 = arith.constant 0 : i32
        %dma_start3A_201 = tpu.memref_slice %arg7[%add3A_199, %dma_start3A_200] : memref<80x128xi32, #tpu.memory_space<vmem>> -> memref<1x128xi32, #tpu.memory_space<vmem>>
        %dma_start3A_202 = tpu.memref_squeeze %dma_start3A_201 : memref<1x128xi32, #tpu.memory_space<vmem>> -> memref<128xi32, #tpu.memory_space<vmem>>
        %dma_start3A_203 = arith.constant 0 : i32
        %dma_start3A_204 = arith.constant 0 : i32
        %dma_start3A_205 = tpu.memref_slice %arg2[%arg0, %dma_start3A_203, %dma_start3A_204] : memref<2x10000x128xf32, #tpu.memory_space<hbm>> -> memref<1x10000x128xf32, #tpu.memory_space<hbm>>
        %dma_start3A_206 = tpu.memref_squeeze %dma_start3A_205 : memref<1x10000x128xf32, #tpu.memory_space<hbm>> -> memref<10000x128xf32, #tpu.memory_space<hbm>>
        %dma_start3A_207 = arith.constant 0 : i32
        %dma_start3A_208 = arith.constant 0 : i32
        %dma_start3A_209 = tpu.memref_slice %dma_start3A_206[%dma_start3A_207, %dma_start3A_208] : memref<10000x128xf32, #tpu.memory_space<hbm>> -> memref<10000x128xf32, #tpu.memory_space<hbm>>
        tpu.enqueue_indirect_dma source(%dma_start3A_209 : memref<10000x128xf32, #tpu.memory_space<hbm>>) target(%arg9 : memref<128x128xf32, #tpu.memory_space<vmem>>) offsets(%dma_start3A_202 : memref<128xi32, #tpu.memory_space<vmem>>) semaphore(%arg14 : memref<!tpu.dma_semaphore, #tpu.memory_space<semaphore_mem>>)
      } else {
      }
      %add3A_141 = arith.constant 1 : i32
      %add3A_142 = arith.addi %add3A_122, %add3A_141 : i32
      %dma_wait3A_143 = arith.constant 0 : i32
      %dma_wait3A_144 = tpu.memref_slice %arg7[%add3A_142, %dma_wait3A_143] : memref<80x128xi32, #tpu.memory_space<vmem>> -> memref<1x128xi32, #tpu.memory_space<vmem>>
      %dma_wait3A_145 = tpu.memref_squeeze %dma_wait3A_144 : memref<1x128xi32, #tpu.memory_space<vmem>> -> memref<128xi32, #tpu.memory_space<vmem>>
      %dma_wait3A_146 = arith.constant 0 : i32
      %dma_wait3A_147 = arith.constant 0 : i32
      %dma_wait3A_148 = tpu.memref_slice %arg2[%arg0, %dma_wait3A_146, %dma_wait3A_147] : memref<2x10000x128xf32, #tpu.memory_space<hbm>> -> memref<1x10000x128xf32, #tpu.memory_space<hbm>>
      %dma_wait3A_149 = tpu.memref_squeeze %dma_wait3A_148 : memref<1x10000x128xf32, #tpu.memory_space<hbm>> -> memref<10000x128xf32, #tpu.memory_space<hbm>>
      %dma_wait3A_150 = arith.constant 0 : i32
      %dma_wait3A_151 = arith.constant 0 : i32
      %dma_wait3A_152 = tpu.memref_slice %dma_wait3A_149[%dma_wait3A_150, %dma_wait3A_151] : memref<10000x128xf32, #tpu.memory_space<hbm>> -> memref<10000x128xf32, #tpu.memory_space<hbm>>
      tpu.wait_indirect_dma semaphore(%arg15 : memref<!tpu.dma_semaphore, #tpu.memory_space<semaphore_mem>>) src(%dma_wait3A_152 : memref<10000x128xf32, #tpu.memory_space<hbm>>) dst(%arg10 : memref<128x128xf32, #tpu.memory_space<vmem>>)
      %add3A_153 = arith.constant 4 : i32
      %add3A_154 = arith.addi %add3A_142, %add3A_153 : i32
      %lt3A_155 = arith.constant 80 : i32
      %lt3A_156 = arith.cmpi slt, %add3A_154, %lt3A_155 : i32
      %convert_element_type3A_157 = arith.extui %lt3A_156 : i1 to i32
      %cond3A_158 = arith.constant 0 : i32
      %cond3A_159 = arith.cmpi ne, %convert_element_type3A_157, %cond3A_158 : i32
      scf.if %cond3A_159 {
        %add3A_198 = arith.constant 4 : i32
        %add3A_199 = arith.addi %add3A_142, %add3A_198 : i32
        %dma_start3A_200 = arith.constant 0 : i32
        %dma_start3A_201 = tpu.memref_slice %arg7[%add3A_199, %dma_start3A_200] : memref<80x128xi32, #tpu.memory_space<vmem>> -> memref<1x128xi32, #tpu.memory_space<vmem>>
        %dma_start3A_202 = tpu.memref_squeeze %dma_start3A_201 : memref<1x128xi32, #tpu.memory_space<vmem>> -> memref<128xi32, #tpu.memory_space<vmem>>
        %dma_start3A_203 = arith.constant 0 : i32
        %dma_start3A_204 = arith.constant 0 : i32
        %dma_start3A_205 = tpu.memref_slice %arg2[%arg0, %dma_start3A_203, %dma_start3A_204] : memref<2x10000x128xf32, #tpu.memory_space<hbm>> -> memref<1x10000x128xf32, #tpu.memory_space<hbm>>
        %dma_start3A_206 = tpu.memref_squeeze %dma_start3A_205 : memref<1x10000x128xf32, #tpu.memory_space<hbm>> -> memref<10000x128xf32, #tpu.memory_space<hbm>>
        %dma_start3A_207 = arith.constant 0 : i32
        %dma_start3A_208 = arith.constant 0 : i32
        %dma_start3A_209 = tpu.memref_slice %dma_start3A_206[%dma_start3A_207, %dma_start3A_208] : memref<10000x128xf32, #tpu.memory_space<hbm>> -> memref<10000x128xf32, #tpu.memory_space<hbm>>
        tpu.enqueue_indirect_dma source(%dma_start3A_209 : memref<10000x128xf32, #tpu.memory_space<hbm>>) target(%arg10 : memref<128x128xf32, #tpu.memory_space<vmem>>) offsets(%dma_start3A_202 : memref<128xi32, #tpu.memory_space<vmem>>) semaphore(%arg15 : memref<!tpu.dma_semaphore, #tpu.memory_space<semaphore_mem>>)
      } else {
      }
      %add3A_160 = arith.constant 2 : i32
      %add3A_161 = arith.addi %add3A_122, %add3A_160 : i32
      %dma_wait3A_162 = arith.constant 0 : i32
      %dma_wait3A_163 = tpu.memref_slice %arg7[%add3A_161, %dma_wait3A_162] : memref<80x128xi32, #tpu.memory_space<vmem>> -> memref<1x128xi32, #tpu.memory_space<vmem>>
      %dma_wait3A_164 = tpu.memref_squeeze %dma_wait3A_163 : memref<1x128xi32, #tpu.memory_space<vmem>> -> memref<128xi32, #tpu.memory_space<vmem>>
      %dma_wait3A_165 = arith.constant 0 : i32
      %dma_wait3A_166 = arith.constant 0 : i32
      %dma_wait3A_167 = tpu.memref_slice %arg2[%arg0, %dma_wait3A_165, %dma_wait3A_166] : memref<2x10000x128xf32, #tpu.memory_space<hbm>> -> memref<1x10000x128xf32, #tpu.memory_space<hbm>>
      %dma_wait3A_168 = tpu.memref_squeeze %dma_wait3A_167 : memref<1x10000x128xf32, #tpu.memory_space<hbm>> -> memref<10000x128xf32, #tpu.memory_space<hbm>>
      %dma_wait3A_169 = arith.constant 0 : i32
      %dma_wait3A_170 = arith.constant 0 : i32
      %dma_wait3A_171 = tpu.memref_slice %dma_wait3A_168[%dma_wait3A_169, %dma_wait3A_170] : memref<10000x128xf32, #tpu.memory_space<hbm>> -> memref<10000x128xf32, #tpu.memory_space<hbm>>
      tpu.wait_indirect_dma semaphore(%arg16 : memref<!tpu.dma_semaphore, #tpu.memory_space<semaphore_mem>>) src(%dma_wait3A_171 : memref<10000x128xf32, #tpu.memory_space<hbm>>) dst(%arg11 : memref<128x128xf32, #tpu.memory_space<vmem>>)
      %add3A_172 = arith.constant 4 : i32
      %add3A_173 = arith.addi %add3A_161, %add3A_172 : i32
      %lt3A_174 = arith.constant 80 : i32
      %lt3A_175 = arith.cmpi slt, %add3A_173, %lt3A_174 : i32
      %convert_element_type3A_176 = arith.extui %lt3A_175 : i1 to i32
      %cond3A_177 = arith.constant 0 : i32
      %cond3A_178 = arith.cmpi ne, %convert_element_type3A_176, %cond3A_177 : i32
      scf.if %cond3A_178 {
        %add3A_198 = arith.constant 4 : i32
        %add3A_199 = arith.addi %add3A_161, %add3A_198 : i32
        %dma_start3A_200 = arith.constant 0 : i32
        %dma_start3A_201 = tpu.memref_slice %arg7[%add3A_199, %dma_start3A_200] : memref<80x128xi32, #tpu.memory_space<vmem>> -> memref<1x128xi32, #tpu.memory_space<vmem>>
        %dma_start3A_202 = tpu.memref_squeeze %dma_start3A_201 : memref<1x128xi32, #tpu.memory_space<vmem>> -> memref<128xi32, #tpu.memory_space<vmem>>
        %dma_start3A_203 = arith.constant 0 : i32
        %dma_start3A_204 = arith.constant 0 : i32
        %dma_start3A_205 = tpu.memref_slice %arg2[%arg0, %dma_start3A_203, %dma_start3A_204] : memref<2x10000x128xf32, #tpu.memory_space<hbm>> -> memref<1x10000x128xf32, #tpu.memory_space<hbm>>
        %dma_start3A_206 = tpu.memref_squeeze %dma_start3A_205 : memref<1x10000x128xf32, #tpu.memory_space<hbm>> -> memref<10000x128xf32, #tpu.memory_space<hbm>>
        %dma_start3A_207 = arith.constant 0 : i32
        %dma_start3A_208 = arith.constant 0 : i32
        %dma_start3A_209 = tpu.memref_slice %dma_start3A_206[%dma_start3A_207, %dma_start3A_208] : memref<10000x128xf32, #tpu.memory_space<hbm>> -> memref<10000x128xf32, #tpu.memory_space<hbm>>
        tpu.enqueue_indirect_dma source(%dma_start3A_209 : memref<10000x128xf32, #tpu.memory_space<hbm>>) target(%arg11 : memref<128x128xf32, #tpu.memory_space<vmem>>) offsets(%dma_start3A_202 : memref<128xi32, #tpu.memory_space<vmem>>) semaphore(%arg16 : memref<!tpu.dma_semaphore, #tpu.memory_space<semaphore_mem>>)
      } else {
      }
      %add3A_179 = arith.constant 3 : i32
      %add3A_180 = arith.addi %add3A_122, %add3A_179 : i32
      %dma_wait3A_181 = arith.constant 0 : i32
      %dma_wait3A_182 = tpu.memref_slice %arg7[%add3A_180, %dma_wait3A_181] : memref<80x128xi32, #tpu.memory_space<vmem>> -> memref<1x128xi32, #tpu.memory_space<vmem>>
      %dma_wait3A_183 = tpu.memref_squeeze %dma_wait3A_182 : memref<1x128xi32, #tpu.memory_space<vmem>> -> memref<128xi32, #tpu.memory_space<vmem>>
      %dma_wait3A_184 = arith.constant 0 : i32
      %dma_wait3A_185 = arith.constant 0 : i32
      %dma_wait3A_186 = tpu.memref_slice %arg2[%arg0, %dma_wait3A_184, %dma_wait3A_185] : memref<2x10000x128xf32, #tpu.memory_space<hbm>> -> memref<1x10000x128xf32, #tpu.memory_space<hbm>>
      %dma_wait3A_187 = tpu.memref_squeeze %dma_wait3A_186 : memref<1x10000x128xf32, #tpu.memory_space<hbm>> -> memref<10000x128xf32, #tpu.memory_space<hbm>>
      %dma_wait3A_188 = arith.constant 0 : i32
      %dma_wait3A_189 = arith.constant 0 : i32
      %dma_wait3A_190 = tpu.memref_slice %dma_wait3A_187[%dma_wait3A_188, %dma_wait3A_189] : memref<10000x128xf32, #tpu.memory_space<hbm>> -> memref<10000x128xf32, #tpu.memory_space<hbm>>
      tpu.wait_indirect_dma semaphore(%arg17 : memref<!tpu.dma_semaphore, #tpu.memory_space<semaphore_mem>>) src(%dma_wait3A_190 : memref<10000x128xf32, #tpu.memory_space<hbm>>) dst(%arg12 : memref<128x128xf32, #tpu.memory_space<vmem>>)
      %add3A_191 = arith.constant 4 : i32
      %add3A_192 = arith.addi %add3A_180, %add3A_191 : i32
      %lt3A_193 = arith.constant 80 : i32
      %lt3A_194 = arith.cmpi slt, %add3A_192, %lt3A_193 : i32
      %convert_element_type3A_195 = arith.extui %lt3A_194 : i1 to i32
      %cond3A_196 = arith.constant 0 : i32
      %cond3A_197 = arith.cmpi ne, %convert_element_type3A_195, %cond3A_196 : i32
      scf.if %cond3A_197 {
        %add3A_198 = arith.constant 4 : i32
        %add3A_199 = arith.addi %add3A_180, %add3A_198 : i32
        %dma_start3A_200 = arith.constant 0 : i32
        %dma_start3A_201 = tpu.memref_slice %arg7[%add3A_199, %dma_start3A_200] : memref<80x128xi32, #tpu.memory_space<vmem>> -> memref<1x128xi32, #tpu.memory_space<vmem>>
        %dma_start3A_202 = tpu.memref_squeeze %dma_start3A_201 : memref<1x128xi32, #tpu.memory_space<vmem>> -> memref<128xi32, #tpu.memory_space<vmem>>
        %dma_start3A_203 = arith.constant 0 : i32
        %dma_start3A_204 = arith.constant 0 : i32
        %dma_start3A_205 = tpu.memref_slice %arg2[%arg0, %dma_start3A_203, %dma_start3A_204] : memref<2x10000x128xf32, #tpu.memory_space<hbm>> -> memref<1x10000x128xf32, #tpu.memory_space<hbm>>
        %dma_start3A_206 = tpu.memref_squeeze %dma_start3A_205 : memref<1x10000x128xf32, #tpu.memory_space<hbm>> -> memref<10000x128xf32, #tpu.memory_space<hbm>>
        %dma_start3A_207 = arith.constant 0 : i32
        %dma_start3A_208 = arith.constant 0 : i32
        %dma_start3A_209 = tpu.memref_slice %dma_start3A_206[%dma_start3A_207, %dma_start3A_208] : memref<10000x128xf32, #tpu.memory_space<hbm>> -> memref<10000x128xf32, #tpu.memory_space<hbm>>
        tpu.enqueue_indirect_dma source(%dma_start3A_209 : memref<10000x128xf32, #tpu.memory_space<hbm>>) target(%arg12 : memref<128x128xf32, #tpu.memory_space<vmem>>) offsets(%dma_start3A_202 : memref<128xi32, #tpu.memory_space<vmem>>) semaphore(%arg17 : memref<!tpu.dma_semaphore, #tpu.memory_space<semaphore_mem>>)
      } else {
      }
    }
    %scan3A_106 = arith.constant 20 : i32
    %barrier3A_107 = arith.constant 0 : index
    tpu.barrier barrier_id(%barrier3A_107)
    %lt3A_108 = arith.constant 15 : i32
    %lt3A_109 = arith.cmpi slt, %arg1, %lt3A_108 : i32
    %convert_element_type3A_110 = arith.extui %lt3A_109 : i1 to i32
    %cond3A_111 = arith.constant 0 : i32
    %cond3A_112 = arith.cmpi ne, %convert_element_type3A_110, %cond3A_111 : i32
    scf.if %cond3A_112 {
      %add3A = arith.constant 5000 : i32
      %add3A_119 = arith.addi %add3A, %mul3A_0 : i32
      "tpu.region"() ({
        %run_scoped3A_120 = tpu.sem_alloc : memref<!tpu.dma_semaphore, #tpu.memory_space<semaphore_mem>>
        %dma_start3A_121 = arith.constant 0 : i32
        %dma_start3A_122 = arith.constant 0 : i32
        %dma_start3A_123 = tpu.memref_slice %arg6[%arg0, %dma_start3A_121, %dma_start3A_122] : memref<2x10000x128xf32, #tpu.memory_space<hbm>> -> memref<1x10000x128xf32, #tpu.memory_space<hbm>>
        %dma_start3A_124 = tpu.memref_squeeze %dma_start3A_123 : memref<1x10000x128xf32, #tpu.memory_space<hbm>> -> memref<10000x128xf32, #tpu.memory_space<hbm>>
        %dma_start3A_125 = arith.constant 0 : i32
        %dma_start3A_126 = tpu.memref_slice %dma_start3A_124[%add3A_119, %dma_start3A_125] : memref<10000x128xf32, #tpu.memory_space<hbm>> -> memref<320x128xf32, #tpu.memory_space<hbm>>
        %dma_start3A_127 = arith.constant 0 : i32
        %dma_start3A_128 = tpu.memref_slice %arg13[%mul3A_0, %dma_start3A_127] : memref<5120x128xf32, #tpu.memory_space<vmem_shared>> -> memref<320x128xf32, #tpu.memory_space<vmem_shared>>
        tpu.enqueue_dma source(%dma_start3A_128 : memref<320x128xf32, #tpu.memory_space<vmem_shared>>) target(%dma_start3A_126 : memref<320x128xf32, #tpu.memory_space<hbm>>) target_semaphore(%run_scoped3A_120 : memref<!tpu.dma_semaphore, #tpu.memory_space<semaphore_mem>>)
        %dma_wait3A = arith.constant 0 : i32
        %dma_wait3A_129 = arith.constant 0 : i32
        %dma_wait3A_130 = tpu.memref_slice %arg6[%arg0, %dma_wait3A, %dma_wait3A_129] : memref<2x10000x128xf32, #tpu.memory_space<hbm>> -> memref<1x10000x128xf32, #tpu.memory_space<hbm>>
        %dma_wait3A_131 = tpu.memref_squeeze %dma_wait3A_130 : memref<1x10000x128xf32, #tpu.memory_space<hbm>> -> memref<10000x128xf32, #tpu.memory_space<hbm>>
        %dma_wait3A_132 = arith.constant 0 : i32
        %dma_wait3A_133 = tpu.memref_slice %dma_wait3A_131[%add3A_119, %dma_wait3A_132] : memref<10000x128xf32, #tpu.memory_space<hbm>> -> memref<320x128xf32, #tpu.memory_space<hbm>>
        %dma_wait3A_134 = arith.constant 0 : i32
        %dma_wait3A_135 = tpu.memref_slice %arg13[%mul3A_0, %dma_wait3A_134] : memref<5120x128xf32, #tpu.memory_space<vmem_shared>> -> memref<320x128xf32, #tpu.memory_space<vmem_shared>>
        tpu.wait_dma2 semaphore(%run_scoped3A_120 : memref<!tpu.dma_semaphore, #tpu.memory_space<semaphore_mem>>) src(%dma_wait3A_135 : memref<320x128xf32, #tpu.memory_space<vmem_shared>>) dst(%dma_wait3A_133 : memref<320x128xf32, #tpu.memory_space<hbm>>)
        tpu.yield
      }) : () -> ()
    } else {
    }
    %eq3A_113 = arith.constant 15 : i32
    %eq3A_114 = arith.cmpi eq, %arg1, %eq3A_113 : i32
    %convert_element_type3A_115 = arith.extui %eq3A_114 : i1 to i32
    %cond3A_116 = arith.constant 0 : i32
    %cond3A_117 = arith.cmpi ne, %convert_element_type3A_115, %cond3A_116 : i32
    scf.if %cond3A_117 {
      %add3A = arith.constant 5000 : i32
      %add3A_119 = arith.addi %add3A, %mul3A_0 : i32
      "tpu.region"() ({
        %run_scoped3A_120 = tpu.sem_alloc : memref<!tpu.dma_semaphore, #tpu.memory_space<semaphore_mem>>
        %dma_start3A_121 = arith.constant 0 : i32
        %dma_start3A_122 = arith.constant 0 : i32
        %dma_start3A_123 = tpu.memref_slice %arg6[%arg0, %dma_start3A_121, %dma_start3A_122] : memref<2x10000x128xf32, #tpu.memory_space<hbm>> -> memref<1x10000x128xf32, #tpu.memory_space<hbm>>
        %dma_start3A_124 = tpu.memref_squeeze %dma_start3A_123 : memref<1x10000x128xf32, #tpu.memory_space<hbm>> -> memref<10000x128xf32, #tpu.memory_space<hbm>>
        %dma_start3A_125 = arith.constant 0 : i32
        %dma_start3A_126 = tpu.memref_slice %dma_start3A_124[%add3A_119, %dma_start3A_125] : memref<10000x128xf32, #tpu.memory_space<hbm>> -> memref<200x128xf32, #tpu.memory_space<hbm>>
        %dma_start3A_127 = arith.constant 0 : i32
        %dma_start3A_128 = tpu.memref_slice %arg13[%mul3A_0, %dma_start3A_127] : memref<5120x128xf32, #tpu.memory_space<vmem_shared>> -> memref<200x128xf32, #tpu.memory_space<vmem_shared>>
        tpu.enqueue_dma source(%dma_start3A_128 : memref<200x128xf32, #tpu.memory_space<vmem_shared>>) target(%dma_start3A_126 : memref<200x128xf32, #tpu.memory_space<hbm>>) target_semaphore(%run_scoped3A_120 : memref<!tpu.dma_semaphore, #tpu.memory_space<semaphore_mem>>)
        %dma_wait3A = arith.constant 0 : i32
        %dma_wait3A_129 = arith.constant 0 : i32
        %dma_wait3A_130 = tpu.memref_slice %arg6[%arg0, %dma_wait3A, %dma_wait3A_129] : memref<2x10000x128xf32, #tpu.memory_space<hbm>> -> memref<1x10000x128xf32, #tpu.memory_space<hbm>>
        %dma_wait3A_131 = tpu.memref_squeeze %dma_wait3A_130 : memref<1x10000x128xf32, #tpu.memory_space<hbm>> -> memref<10000x128xf32, #tpu.memory_space<hbm>>
        %dma_wait3A_132 = arith.constant 0 : i32
        %dma_wait3A_133 = tpu.memref_slice %dma_wait3A_131[%add3A_119, %dma_wait3A_132] : memref<10000x128xf32, #tpu.memory_space<hbm>> -> memref<200x128xf32, #tpu.memory_space<hbm>>
        %dma_wait3A_134 = arith.constant 0 : i32
        %dma_wait3A_135 = tpu.memref_slice %arg13[%mul3A_0, %dma_wait3A_134] : memref<5120x128xf32, #tpu.memory_space<vmem_shared>> -> memref<200x128xf32, #tpu.memory_space<vmem_shared>>
        tpu.wait_dma2 semaphore(%run_scoped3A_120 : memref<!tpu.dma_semaphore, #tpu.memory_space<semaphore_mem>>) src(%dma_wait3A_135 : memref<200x128xf32, #tpu.memory_space<vmem_shared>>) dst(%dma_wait3A_133 : memref<200x128xf32, #tpu.memory_space<hbm>>)
        tpu.yield
      }) : () -> ()
    } else {
    }
    %barrier3A_118 = arith.constant 0 : index
    tpu.barrier barrier_id(%barrier3A_118)
    return
  }
}

module attributes {stable_mosaic.version = 14 : i64} {
  func.func @_mm_body(%arg0: i32, %arg1: memref<1000x256xf32, #tpu.memory_space<vmem>>, %arg2: memref<256x256xf32, #tpu.memory_space<vmem>>, %arg3: memref<1000x1xf32, #tpu.memory_space<vmem>>, %arg4: memref<2x1000x128xf32, #tpu.memory_space<vmem>>) attributes {dimension_semantics = [#tpu.dimension_semantics<arbitrary>], iteration_bounds = array<i64: 10>, scalar_prefetch = 0 : i64, scratch_operands = 0 : i64, tpu.core_type = #tpu.core_type<tc>, window_params = [{transform_indices = @transform_0, window_bounds = array<i64: 1000, 256>}, {pipeline_mode = #tpu.pipeline_mode<synchronous>, transform_indices = @transform_1, window_bounds = array<i64: 256, 256>}, {transform_indices = @transform_2, window_bounds = array<i64: 1000, 1>}, {transform_indices = @transform_3, window_bounds = array<i64: 2, 1000, 128>}]} {
    %get3A = arith.constant 0 : index
    %get3A_0 = arith.constant 0 : index
    %get3A_1 = vector.load %arg1[%get3A, %get3A_0] : memref<1000x256xf32, #tpu.memory_space<vmem>>, vector<1000x256xf32>
    %get3A_2 = arith.constant 0 : index
    %get3A_3 = arith.constant 0 : index
    %get3A_4 = vector.load %arg2[%get3A_2, %get3A_3] : memref<256x256xf32, #tpu.memory_space<vmem>>, vector<256x256xf32>
    %dot_general3A = arith.constant dense<0.000000e+00> : vector<1000x256xf32>
    %dot_general3A_5 = tpu.matmul %get3A_1, %get3A_4, %dot_general3A {dimension_numbers = #tpu.dot_dimension_numbers<[1], [0], [0], [1], [0, 0, 1, 1], [], []>, transpose_lhs_hint = false} : vector<1000x256xf32>, vector<256x256xf32>, vector<1000x256xf32> -> vector<1000x256xf32>
    %get3A_6 = arith.constant 0 : index
    %get3A_7 = arith.constant 0 : index
    %get3A_8 = vector.load %arg3[%get3A_6, %get3A_7] : memref<1000x1xf32, #tpu.memory_space<vmem>>, vector<1000x1xf32>
    %mul3A = vector.broadcast %get3A_8 : vector<1000x1xf32> to vector<1000x256xf32>
    %mul3A_9 = arith.mulf %dot_general3A_5, %mul3A : vector<1000x256xf32>
    %slice3A = vector.extract_strided_slice %mul3A_9 {offsets = [0, 0], sizes = [1000, 128], strides = [1, 1]} : vector<1000x256xf32> to vector<1000x128xf32>
    %swap3A = arith.constant 0 : index
    %swap3A_10 = arith.constant 0 : index
    %swap3A_11 = arith.constant 0 : index
    %swap3A_12 = vector.load %arg4[%swap3A, %swap3A_10, %swap3A_11] : memref<2x1000x128xf32, #tpu.memory_space<vmem>>, vector<1x1000x128xf32>
    %swap3A_13 = vector.shape_cast %swap3A_12 : vector<1x1000x128xf32> to vector<1000x128xf32>
    %swap3A_14 = vector.shape_cast %slice3A : vector<1000x128xf32> to vector<1x1000x128xf32>
    tpu.vector_store %arg4[%swap3A, %swap3A_10, %swap3A_11], %swap3A_14 {strides = array<i32>} : memref<2x1000x128xf32, #tpu.memory_space<vmem>>, vector<1x1000x128xf32>,
    %slice3A_15 = vector.extract_strided_slice %mul3A_9 {offsets = [0, 128], sizes = [1000, 128], strides = [1, 1]} : vector<1000x256xf32> to vector<1000x128xf32>
    %swap3A_16 = arith.constant 1 : index
    %swap3A_17 = arith.constant 0 : index
    %swap3A_18 = arith.constant 0 : index
    %swap3A_19 = vector.load %arg4[%swap3A_16, %swap3A_17, %swap3A_18] : memref<2x1000x128xf32, #tpu.memory_space<vmem>>, vector<1x1000x128xf32>
    %swap3A_20 = vector.shape_cast %swap3A_19 : vector<1x1000x128xf32> to vector<1000x128xf32>
    %swap3A_21 = vector.shape_cast %slice3A_15 : vector<1000x128xf32> to vector<1x1000x128xf32>
    tpu.vector_store %arg4[%swap3A_16, %swap3A_17, %swap3A_18], %swap3A_21 {strides = array<i32>} : memref<2x1000x128xf32, #tpu.memory_space<vmem>>, vector<1x1000x128xf32>,
    return
  }
  func.func @transform_0(%arg0: i32) -> (i32, i32) {
    %c0_i32 = arith.constant 0 : i32
    %c0_i32_0 = arith.constant 0 : i32
    return %arg0, %c0_i32 : i32, i32
  }
  func.func @transform_1(%arg0: i32) -> (i32, i32) {
    %c0_i32 = arith.constant 0 : i32
    %c0_i32_0 = arith.constant 0 : i32
    %c0_i32_1 = arith.constant 0 : i32
    return %c0_i32, %c0_i32_0 : i32, i32
  }
  func.func @transform_2(%arg0: i32) -> (i32, i32) {
    %c0_i32 = arith.constant 0 : i32
    %c0_i32_0 = arith.constant 0 : i32
    return %arg0, %c0_i32 : i32, i32
  }
  func.func @transform_3(%arg0: i32) -> (i32, i32, i32) {
    %c0_i32 = arith.constant 0 : i32
    %c0_i32_0 = arith.constant 0 : i32
    %c0_i32_1 = arith.constant 0 : i32
    return %c0_i32, %arg0, %c0_i32_0 : i32, i32, i32
  }
}

module attributes {stable_mosaic.version = 14 : i64} {
  func.func @_finish_body(%arg0: i32, %arg1: memref<2x1000x128xf32, #tpu.memory_space<vmem>>, %arg2: memref<1000x1xf32, #tpu.memory_space<vmem>>, %arg3: memref<1x256xf32, #tpu.memory_space<vmem>>, %arg4: memref<1000x256xf32, #tpu.memory_space<vmem>>) attributes {dimension_semantics = [#tpu.dimension_semantics<arbitrary>], iteration_bounds = array<i64: 10>, scalar_prefetch = 0 : i64, scratch_operands = 0 : i64, tpu.core_type = #tpu.core_type<tc>, window_params = [{transform_indices = @transform_0, window_bounds = array<i64: 2, 1000, 128>}, {transform_indices = @transform_1, window_bounds = array<i64: 1000, 1>}, {pipeline_mode = #tpu.pipeline_mode<synchronous>, transform_indices = @transform_2, window_bounds = array<i64: 1, 256>}, {transform_indices = @transform_3, window_bounds = array<i64: 1000, 256>}]} {
    %get3A = arith.constant 0 : index
    %get3A_0 = arith.constant 0 : index
    %get3A_1 = vector.load %arg2[%get3A, %get3A_0] : memref<1000x1xf32, #tpu.memory_space<vmem>>, vector<1000x1xf32>
    %get3A_2 = arith.constant 0 : index
    %get3A_3 = arith.constant 0 : index
    %get3A_4 = vector.load %arg3[%get3A_2, %get3A_3] : memref<1x256xf32, #tpu.memory_space<vmem>>, vector<1x256xf32>
    %get3A_5 = arith.constant 0 : index
    %get3A_6 = arith.constant 0 : index
    %get3A_7 = arith.constant 0 : index
    %get3A_8 = vector.load %arg1[%get3A_5, %get3A_6, %get3A_7] : memref<2x1000x128xf32, #tpu.memory_space<vmem>>, vector<1x1000x128xf32>
    %get3A_9 = vector.shape_cast %get3A_8 : vector<1x1000x128xf32> to vector<1000x128xf32>
    %mul3A = vector.broadcast %get3A_1 : vector<1000x1xf32> to vector<1000x128xf32>
    %mul3A_10 = arith.mulf %get3A_9, %mul3A : vector<1000x128xf32>
    %slice3A = vector.extract_strided_slice %get3A_4 {offsets = [0, 0], sizes = [1, 128], strides = [1, 1]} : vector<1x256xf32> to vector<1x128xf32>
    %add3A = vector.broadcast %slice3A : vector<1x128xf32> to vector<1000x128xf32>
    %add3A_11 = arith.addf %mul3A_10, %add3A : vector<1000x128xf32>
    %max3A = arith.constant 0.000000e+00 : f32
    %max3A_12 = vector.broadcast %max3A : f32 to vector<1000x128xf32>
    %max3A_13 = arith.maximumf %add3A_11, %max3A_12 : vector<1000x128xf32>
    %swap3A = arith.constant 0 : index
    %swap3A_14 = arith.constant 0 : index
    %swap3A_15 = vector.load %arg4[%swap3A, %swap3A_14] : memref<1000x256xf32, #tpu.memory_space<vmem>>, vector<1000x128xf32>
    tpu.vector_store %arg4[%swap3A, %swap3A_14], %max3A_13 {strides = array<i32>} : memref<1000x256xf32, #tpu.memory_space<vmem>>, vector<1000x128xf32>,
    %get3A_16 = arith.constant 1 : index
    %get3A_17 = arith.constant 0 : index
    %get3A_18 = arith.constant 0 : index
    %get3A_19 = vector.load %arg1[%get3A_16, %get3A_17, %get3A_18] : memref<2x1000x128xf32, #tpu.memory_space<vmem>>, vector<1x1000x128xf32>
    %get3A_20 = vector.shape_cast %get3A_19 : vector<1x1000x128xf32> to vector<1000x128xf32>
    %mul3A_21 = vector.broadcast %get3A_1 : vector<1000x1xf32> to vector<1000x128xf32>
    %mul3A_22 = arith.mulf %get3A_20, %mul3A_21 : vector<1000x128xf32>
    %slice3A_23 = vector.extract_strided_slice %get3A_4 {offsets = [0, 128], sizes = [1, 128], strides = [1, 1]} : vector<1x256xf32> to vector<1x128xf32>
    %add3A_24 = vector.broadcast %slice3A_23 : vector<1x128xf32> to vector<1000x128xf32>
    %add3A_25 = arith.addf %mul3A_22, %add3A_24 : vector<1000x128xf32>
    %max3A_26 = arith.constant 0.000000e+00 : f32
    %max3A_27 = vector.broadcast %max3A_26 : f32 to vector<1000x128xf32>
    %max3A_28 = arith.maximumf %add3A_25, %max3A_27 : vector<1000x128xf32>
    %swap3A_29 = arith.constant 0 : index
    %swap3A_30 = arith.constant 128 : index
    %swap3A_31 = vector.load %arg4[%swap3A_29, %swap3A_30] : memref<1000x256xf32, #tpu.memory_space<vmem>>, vector<1000x128xf32>
    tpu.vector_store %arg4[%swap3A_29, %swap3A_30], %max3A_28 {strides = array<i32>} : memref<1000x256xf32, #tpu.memory_space<vmem>>, vector<1000x128xf32>,
    return
  }
  func.func @transform_0(%arg0: i32) -> (i32, i32, i32) {
    %c0_i32 = arith.constant 0 : i32
    %c0_i32_0 = arith.constant 0 : i32
    %c0_i32_1 = arith.constant 0 : i32
    return %c0_i32, %arg0, %c0_i32_0 : i32, i32, i32
  }
  func.func @transform_1(%arg0: i32) -> (i32, i32) {
    %c0_i32 = arith.constant 0 : i32
    %c0_i32_0 = arith.constant 0 : i32
    return %arg0, %c0_i32 : i32, i32
  }
  func.func @transform_2(%arg0: i32) -> (i32, i32) {
    %c0_i32 = arith.constant 0 : i32
    %c0_i32_0 = arith.constant 0 : i32
    %c0_i32_1 = arith.constant 0 : i32
    return %c0_i32, %c0_i32_0 : i32, i32
  }
  func.func @transform_3(%arg0: i32) -> (i32, i32) {
    %c0_i32 = arith.constant 0 : i32
    %c0_i32_0 = arith.constant 0 : i32
    return %arg0, %c0_i32 : i32, i32
  }
}

</mosaic_0001>

<sc_bundles>
// kernel: kernel.5.cloned.1.call-start
scs
__scs_entry_jumppad:
0x0: {  	(pc) =	sbr.rel $0x88, $3  }
0x1: {  	(tag) =	ssettag $0x0;
	lr =	simm.s32 $0x1  }
0x2: {  	[smem:$0x3F9C] =	sst lr;
	_ =	strace $0xD0000000  }
0x3: {  	_ = 	snop  }
0x4: {  	_ = 	snop  }
0x5: {  	_ = 	snop  }
0x6: {  	_ = 	snop  }
0x7: {  	_ = 	snop  }
__scs_overlays_trampoline_lowered:
0x8: {  	[smem:$0x3FAB] =	sst s0  }
0x9: {  	[smem:$0x3FAC] =	sst s1  }
0xa: {  	[smem:$0x3FAD] =	sst s2  }
0xb: {  	[smem:$0x3FAE] =	sst s3  }
0xc: {  	[smem:$0x3FAF] =	sst s4  }
0xd: {  	[smem:$0x3FB0] =	sst s5  }
0xe: {  	[smem:$0x3FB1] =	sst s6  }
0xf: {  	[smem:$0x3FB2] =	sst s7  }
0x10: {  	[smem:$0x3FB3] =	sst s8  }
0x11: {  	[smem:$0x3FB4] =	sst s9;
	s0 =	simm.s32 @!p0 $0x0  }
0x12: {  	s1 =	sld [smem:$0x3F9A];
	s0 =	simm.s32 @p0 $0x1  }
0x13: {  	[smem:$0x3FB5] =	sst s0;
	s0 =	simm.s32 @!p1 $0x0  }
0x14: {  	s2 =	sld [smem:$0x3F99];
	s0 =	simm.s32 @p1 $0x1  }
0x15: {  	[smem:$0x3FB6] =	sst s0;
	s0 =	simm.s32 @!p2 $0x0  }
0x16: {  	s3 =	sld [smem:$0x3FDB];
	s0 =	simm.s32 @p2 $0x1  }
0x17: {  	s4 =	simm.s32 $0x1BF5;
	[smem:$0x3FB8] =	sst s0  }
0x18: {  	s0 =	sld [smem:$0x3F9B];
	_ =	swait.ge [sflag:s4], $0x0  }
0x19: {  	s7 =	sld [smem:$0x3F9C]  }
0x1a: {  	s8 =	sadd.s32 $0xFFFFE003, lr  }
0x1b: {  	s9 =	sadd.s32 $0xFFFFFEF7, lr;
	s5 =	simm.s32 $0xFFFFFFFF;
	p2 =	slt.u32 s8, $0xFFFFF086  }
0x1c: {  	p1 =	slt.u32 s9, $0xF7A;
	s5 =	simm.s32 @!p2 $0x0  }
0x1d: {  	s5 =	simm.s32 @p1 $0x1;
	p0 =	seq.s32 s7, s2  }
0x1e: {  	s7 =	smul.u32 @!p0 $0xF7A, s2;
	p2 =	seq.s32 @!p0 s5, $0x0  }
0x1f: {  	s9 =	smul.u32 $0xF7A, s1;
	s8 =	simm.s32 @!p0 $0x1BF5;
	p2 =	por !p2, p0  }
0x20: {  	[sflag:s8] =	ssyncset.s32 @!p0 $0xFFFFF086;
	s6 =	sadd.s32 @!p0 s3, s7;
	s7 =	simm.s32 @!p0 $0x108  }
0x21: {  	s3 =	sadd.s32 s3, s9;
	s6 =	sadd.s32 @!p0 $0x88, s6;
	s7 =	simm.s32 @p2 $0x1082  }
0x22: {  	[simem:s7], [sflag:s8] =	dma.local @!p0 [hbm:s6], $0xF7A  }
0x23: {  	s9 =	sor.u32 $0xD0000000, s2;
	s6 =	simm.s32 $0x108;
	_ =	swait.ge @!p0 [sflag:s8], $0x0  }
0x24: {  	s3 =	sadd.s32 $0x88, s3;
	s6 =	simm.s32 @!p1 $0x1082;
	[sflag:s4] =	ssyncset.s32 $0xFFFFF086  }
0x25: {  	[simem:s6], [sflag:s4] =	dma.local [hbm:s3], $0xF7A  }
0x26: {  	[smem:$0x3F9C] =	sst s1;
	(tag) =	ssettag s2;
	_ =	strace s9  }
0x27: {  	s1 =	sld [smem:$0x3FAC]  }
0x28: {  	s2 =	sld [smem:$0x3FAD]  }
0x29: {  	s4 =	sld [smem:$0x3FAF]  }
0x2a: {  	p0 =	seq.s32 s5, $0x0;
	s5 =	sld [smem:$0x3FB0]  }
0x2b: {  	s6 =	sld [smem:$0x3FB1]  }
0x2c: {  	s7 =	sld [smem:$0x3FB2]  }
0x2d: {  	s3 =	simm.s32 $0x108;
	s8 =	sld [smem:$0x3FB3]  }
0x2e: {  	s3 =	simm.s32 @!p0 $0x1082;
	s9 =	sld [smem:$0x3FB4]  }
0x2f: {  	lr =	sadd.s32 s0, s3;
	s0 =	sld [smem:$0x3FAB]  }
0x30: {  	s3 =	sld [smem:$0x3FAE]  }
0x31: {  	[smem:$0x3FB7] =	sst s10  }
0x32: {  	s10 =	sld [smem:$0x3FB5];
	_ =	sdelay $0x3  }
0x33: {  	p0 =	seq.s32 s10, $0x1;
	s10 =	sld [smem:$0x3FB7];
	_ =	sdelay $0x3  }
0x34: {  	[smem:$0x3FB7] =	sst s10  }
0x35: {  	s10 =	sld [smem:$0x3FB6];
	_ =	sdelay $0x3  }
0x36: {  	p1 =	seq.s32 s10, $0x1;
	s10 =	sld [smem:$0x3FB7];
	_ =	sdelay $0x3  }
0x37: {  	[smem:$0x3FB7] =	sst s10  }
0x38: {  	s10 =	sld [smem:$0x3FB8]  }
0x39: {  	_ = 	snop;
	(pc) =	sbr.ind lr, $3  }
0x3a: {  	_ = 	snop  }
0x3b: {  	_ = 	snop  }
0x3c: {  	p2 =	seq.s32 s10, $0x1;
	s10 =	sld [smem:$0x3FB7]  }
0x3d: {  	_ =	shalt  }
0x3e: {  	_ =	shalt  }
0x3f: {  	_ =	shalt  }
0x40: {  	_ =	shalt  }
0x41: {  	_ =	shalt  }
0x42: {  	_ =	shalt  }
0x43: {  	_ =	shalt  }
0x44: {  	_ =	shalt  }
0x45: {  	_ =	shalt  }
0x46: {  	_ =	shalt  }
0x47: {  	_ =	shalt  }
0x48: {  	_ =	shalt  }
0x49: {  	_ =	shalt  }
0x4a: {  	_ =	shalt  }
0x4b: {  	_ =	shalt  }
0x4c: {  	_ =	shalt  }
0x4d: {  	_ =	shalt  }
0x4e: {  	_ =	shalt  }
0x4f: {  	_ =	shalt  }
0x50: {  	_ =	shalt  }
0x51: {  	_ =	shalt  }
0x52: {  	_ =	shalt  }
0x53: {  	_ =	shalt  }
0x54: {  	_ =	shalt  }
0x55: {  	_ =	shalt  }
0x56: {  	_ =	shalt  }
0x57: {  	_ =	shalt  }
0x58: {  	_ =	shalt  }
0x59: {  	_ =	shalt  }
0x5a: {  	_ =	shalt  }
0x5b: {  	_ =	shalt  }
0x5c: {  	_ =	shalt  }
0x5d: {  	_ =	shalt  }
0x5e: {  	_ =	shalt  }
0x5f: {  	_ =	shalt  }
0x60: {  	_ =	shalt  }
0x61: {  	_ =	shalt  }
0x62: {  	_ =	shalt  }
0x63: {  	_ =	shalt  }
0x64: {  	_ =	shalt  }
0x65: {  	_ =	shalt  }
0x66: {  	_ =	shalt  }
0x67: {  	_ =	shalt  }
0x68: {  	_ =	shalt  }
0x69: {  	_ =	shalt  }
0x6a: {  	_ =	shalt  }
0x6b: {  	_ =	shalt  }
0x6c: {  	_ =	shalt  }
0x6d: {  	_ =	shalt  }
0x6e: {  	_ =	shalt  }
0x6f: {  	_ =	shalt  }
0x70: {  	_ =	shalt  }
0x71: {  	_ =	shalt  }
0x72: {  	_ =	shalt  }
0x73: {  	_ =	shalt  }
0x74: {  	_ =	shalt  }
0x75: {  	_ =	shalt  }
0x76: {  	_ =	shalt  }
0x77: {  	_ =	shalt  }
0x78: {  	_ =	shalt  }
0x79: {  	_ =	shalt  }
0x7a: {  	_ =	shalt  }
0x7b: {  	_ =	shalt  }
0x7c: {  	_ =	shalt  }
0x7d: {  	_ =	shalt  }
0x7e: {  	_ =	shalt  }
0x7f: {  	_ =	shalt  }
0x80: {  	_ =	shalt  }
0x81: {  	_ =	shalt  }
0x82: {  	_ =	shalt  }
0x83: {  	_ =	shalt  }
0x84: {  	_ =	shalt  }
0x85: {  	_ =	shalt  }
0x86: {  	_ =	shalt  }
0x87: {  	_ =	shalt  }
.Lfunc_end0:
.L_simem_size_0:
called_computation_lowered:
.L_overlay_start_0:
0x88: {  	s2 =	sld [smem:$0x3FD9]  }
0x89: {  	s3 =	sld [smem:$0x3FFE];
	_ =	sdelay $0x1  }
0x8a: {  	s1 =	srdreg.scid  }
0x8b: {  	s0 =	sand.u32 $0x1, s1  }
0x8c: {  	s17 =	sshll.u32 s0, $0xA;
	s2 =	sadd.s32 s3, s2  }
0x8d: {  	s2 =	sadd.s32 s2, s17  }
0x8e: {  	[smem:$0x3FC3] =	sst s2  }
0x8f: {  	_ = 	snop  }
0x90: {  	s2 =	sld [smem:$0x3FD0];
	(tm) =	ssettm $0x1  }
0x91: {  	s18 =	sld [smem:$0x3FFB];
	_ =	sdelay $0x3  }
0x92: {  	_ =	strace s18  }
0x93: {  	s3 =	sld [smem:$0x3FFC];
	_ =	sdelay $0x3  }
0x94: {  	_ =	strace s3  }
0x95: {  	s3 =	sld [smem:$0x3FFD];
	_ =	sdelay $0x3  }
0x96: {  	_ =	strace s3  }
0x97: {  	_ =	strace $0x8FFFFFFF  }
0x98: {  	s19 =	sld [smem:$0x3FDB];
	_ =	sdelay $0x1  }
0x99: {  	s4 =	simm.s32 $_scs_section_size  }
0x9a: {  	s5 =	simm.s32 $_size__tile_overlayer_lowered;
	s6 =	simm.s32 $_tile_overlayer_lowered  }
0x9b: {  	s22 =	simm.s32 $0x1BFF;
	s21 =	sshll.u32 s6, $0x1;
	s3 =	sadd.s32 s4, s19  }
0x9c: {  	s7 =	simm.s32 $0x0;
	s20 =	sshll.u32 s5, $0x1;
	s5 =	sadd.s32 s21, s3  }
0x9d: {  	[timem:s7], [sflag:s22] =	dma.local [hbm:s5], s20  }
0x9e: {  	_ =	swait.ge [sflag:s22], s20  }
0x9f: {  	s4 =	ssub.s32 $0x0, s20;
	[sflag:s22] =	ssyncset.done $0x0  }
0xa0: {  	[sflag:s22] =	ssyncadd.s32 s4;
	_ =	sdelay $0x1  }
0xa1: {  	s23 =	simm.s32 $0x1B8B  }
0xa2: {  	_ =	swait.ge [sflag:s23], $0x1  }
0xa3: {  	[sflag:s23] =	ssyncset.done $0x0  }
0xa4: {  	s25 =	simm.s32 $0x1B8E;
	s24 =	sld [smem:$0x3FFE];
	[sflag:s23] =	ssyncadd.s32 $0xFFFFFFFF  }
0xa5: {  	s26 =	simm.s32 $execute0_lowered;
	[smem:$0x3FD2] =	sst s25  }
0xa6: {  	s5 =	sshll.u32 s26, $0x1;
	_ =	strace $0x80000046;
	[dreg:$0x1] =	wrdreg $0xFFFFFFFF  }
0xa7: {  	s28 =	simm.s32 $_size_execute0_lowered;
	s3 =	sadd.s32 s3, s5;
	[dreg:$0x0] =	wrdreg $0x0  }
0xa8: {  	s5 =	sshll.u32 s28, $0x1;
	[dreg:$0x2] =	wrdreg s3  }
0xa9: {  	[dreg:$0x3] =	wrdreg s5  }
0xaa: {  	[dreg:$0x4] =	wrdreg $0xC0  }
0xab: {  	_ =	task [dreg:s7], $0x5FFFF  }
0xac: {  	[dreg:$0x1] =	wrdreg $0xFFFFFFFF  }
0xad: {  	[dreg:$0x0] =	wrdreg $0x60  }
0xae: {  	[dreg:$0x2] =	wrdreg s2  }
0xaf: {  	[dreg:$0x3] =	wrdreg s24  }
0xb0: {  	[dreg:$0x4] =	wrdreg $0x150000  }
0xb1: {  	[dreg:$0x5] =	wrdreg $0x9  }
0xb2: {  	_ =	task.clear_ibuf [dreg:s7], $0x6FFFF;
	_ =	strace $0x90000046  }
0xb3: {  	s29 =	simm.s32 $0x9;
	_ =	strace $0x80000048  }
0xb4: {  	_ =	swait.ge [sflag:s29], $0x1  }
0xb5: {  	[sflag:s29] =	ssyncadd.s32 $0xFFFFFFFF  }
0xb6: {  	_ =	strace $0x90000048  }
0xb7: {  	_ =	sfence  }
0xb8: {  	s30 =	sld [smem:$0x0];
	_ =	sdelay $0x2  }
0xb9: {  	s31 =	sshll.u32 s1, $0xD;
	s1 =	sshrl.u32 s1, $0x2  }
0xba: {  	s3 =	sand.u32 $0x4000, s31;
	s1 =	sadd.s32 s1, s30  }
0xbb: {  	s0 =	sor.u32 s3, s0;
	s1 =	sshll.u32 s1, $0x11  }
0xbc: {  	s0 =	sor.u32 s1, s0  }
0xbd: {  	s0 =	sadd.s32 $0x8F2B, s0  }
0xbe: {  	[sflag:s0] =	ssyncadd.remote.s32 $0x1  }
0xbf: {  	_ =	sfence.sel $0xFFFF  }
0xc0: {  	[dreg:$0x0] =	wrdreg $0xFFFFFFFF;
	(pc) =	sbr.abs _section_cstart, $3  }
0xc1: {  	[dreg:$0x1] =	wrdreg $0xFFFFFFFF  }
0xc2: {  	_ =	task.clear_ibuf [dreg:s7], $0x2FFFF;
	_ =	strace $0x9FFFFFFF  }
0xc3: {  	(tm) =	ssettm $0x7FFFFFFF  }
tec
execute0_lowered:
.L_overlay_start_1:
0x0: {  	(tag) =	ssettag $0x1  }
0x1: {  	s0 =	rddreg [dreg:$0x0]  }
0x2: {  	s1 =	rddreg [dreg:$0x1]  }
0x3: {  	s5 =	rddreg [dreg:$0x2];
	s2 =	simm.s32 $0x0  }
0x4: {  	s23 =	stileid.u32;
	s3 =	srdreg.scid;
	s13 =	simm.s32 $0x2800  }
0x5: {  	s14 =	simm.s32 $0x80;
	s15 =	simm.s32 $0x5000;
	s16 =	simm.s32 $0x9000  }
0x6: {  	s17 =	simm.s32 $0x100;
	s18 =	simm.s32 $0xD000;
	s19 =	simm.s32 $0x180  }
0x7: {  	s20 =	simm.s32 $0x11000;
	s21 =	simm.s32 $0x1;
	s22 =	smul.u32 $0x500, s23  }
0x8: {  	s28 =	simm.s32 $0x4;
	s29 =	simm.s32 $0x0;
	s9 =	smul.u32 $0x28000, s23  }
0x9: {  	[smem:$0x7FF] =	sst s2;
	s3 =	sand.u32 $0x1, s3;
	s31 =	smul.u32 $0xA000, s23  }
0xa: {  	s12 =	sshll.u32 s23, $0x6;
	p0 =	seq.s32 s23, $0xF;
	_ =	strace $0x80000047  }
0xb: {  	s7 =	smul.u32 $0x27100, s3;
	s4 =	ssub.s32 $0x2, s3;
	s3 =	sadd.s32 $0xF800, s1  }
0xc: {  	s6 =	sadd.s32 s22, s1;
	s8 =	sshrl.u32 s4, $0x1;
	s30 =	sshrl.u32 s9, $0x2  }
0xd: {  	s9 =	sshrl.u32 s31, $0x3;
	s10 =	sadd.s32 s7, s1;
	s11 =	ssub.s32 s4, s8  }
0xe: {  	s26 =	sadd.s32 $0x800, s6;
	s5 =	sadd.s32 s30, s5;
	s6 =	sadd.s32 $0x5800, s6  }
0xf: {  	s7 =	sadd.s32 s0, s7;
	s0 =	smul.u32 $0x1400, s23;
	s1 =	sadd.s32 $0xA800, s1  }
0x10: {  	s25 =	sadd.s32 $0x13880, s9;
	s23 =	simm.s32 $0x2;
	[dreg:$0x4] =	wrdreg s26  }
0x11: {  	s8 =	sadd.s32 $0x10C00, s10;
	s9 =	smax.u32 s11, $0x1;
	s10 =	simm.s32 $0x5  }
0x12: {  	s11 =	sor.u32 $0x1C05, s12;
	s12 =	sshrl.u32 s5, $0x3;
	s22 =	sadd.s32 s22, s1  }
0x13: {  	s26 =	simm.s32 $0x3;
	s24 =	sadd.s32 @!p0 s0, s8;
	s25 =	sadd.s32 @!p0 s25, s8  }
.LBB2_1:
0x14: {  	s0 =	rddreg [dreg:$0x4]  }
0x15: {  	[tilespmem:s2], [sflag:$0x5] =	stream.linear.gather [hbm4b:s0+s2], $0x2800, $0x38;
	[tilespmem:$0x1F000] =	vst v63  }
0x16: {  	_ =	swait.ge [sflag:s10], $0x2800  }
0x17: {  	[sflag:s10] =	ssyncset.done $0x0  }
0x18: {  	[sflag:s10] =	ssyncadd.s32 $0xFFFFD800  }
0x19: {  	[spmem:s12], [sflag:s11] =	dma.local [hbm:s3], $0x1400  }
0x1a: {  	_ =	swait.ge [sflag:s10], $0x1400  }
0x1b: {  	[sflag:s10] =	ssyncset.done $0x0  }
0x1c: {  	[sflag:s10] =	ssyncadd.s32 $0xFFFFEC00  }
0x1d: {  	[tilespmem:s13], [sflag:$0x5] =	stream.linear.gather [hbm4b:s6+s2], $0x2800, $0x38;
	[tilespmem:$0x1F000] =	vst v63  }
0x1e: {  	_ =	swait.ge [sflag:s10], $0x2800  }
0x1f: {  	[sflag:s10] =	ssyncset.done $0x0  }
0x20: {  	[sflag:s10] =	ssyncadd.s32 $0xFFFFD800  }
0x21: {  	[bflag:$0x0] =	sbarrier.arrive $0xFFFF  }
0x22: {  	[tilespmem:s15], [sflag:$0x1] =	stream.indirect.gather [hbm4b:s7+s14], $0x80, s2, s14, $0xb8;
	[tilespmem:$0x1F000] =	vst v63  }
0x23: {  	_ = 	snop  }
0x24: {  	[tilespmem:s16], [sflag:$0x2] =	stream.indirect.gather [hbm4b:s7+s14], $0x80, s14, s14, $0xb8;
	[tilespmem:$0x1F000] =	vst v63  }
0x25: {  	_ = 	snop  }
0x26: {  	[tilespmem:s18], [sflag:$0x3] =	stream.indirect.gather [hbm4b:s7+s14], $0x80, s17, s14, $0xb8;
	[tilespmem:$0x1F000] =	vst v63  }
0x27: {  	_ = 	snop  }
0x28: {  	[tilespmem:s20], [sflag:$0x4] =	stream.indirect.gather [hbm4b:s7+s14], $0x80, s19, s14, $0xb8;
	[tilespmem:$0x1F000] =	vst v63  }
0x29: {  	_ =	swait.ge [sflag:s21], $0x4000  }
0x2a: {  	[sflag:s21] =	ssyncset.done $0x0  }
0x2b: {  	s1 =	simm.s32 $0x200;
	[sflag:s21] =	ssyncadd.s32 $0xFFFFC000  }
0x2c: {  	[tilespmem:s15], [sflag:$0x1] =	stream.indirect.gather [hbm4b:s7+s14], $0x80, s1, s14, $0xb8;
	[tilespmem:$0x1F000] =	vst v63  }
0x2d: {  	_ =	swait.ge [sflag:s23], $0x4000  }
0x2e: {  	[sflag:s23] =	ssyncset.done $0x0  }
0x2f: {  	s4 =	simm.s32 $0x280;
	[sflag:s23] =	ssyncadd.s32 $0xFFFFC000  }
0x30: {  	[tilespmem:s16], [sflag:$0x2] =	stream.indirect.gather [hbm4b:s7+s14], $0x80, s4, s14, $0xb8;
	[tilespmem:$0x1F000] =	vst v63  }
0x31: {  	_ =	swait.ge [sflag:s26], $0x4000  }
0x32: {  	[sflag:s26] =	ssyncset.done $0x0  }
0x33: {  	s31 =	simm.s32 $0x300;
	[sflag:s26] =	ssyncadd.s32 $0xFFFFC000  }
0x34: {  	[tilespmem:s18], [sflag:$0x3] =	stream.indirect.gather [hbm4b:s7+s14], $0x80, s31, s14, $0xb8;
	[tilespmem:$0x1F000] =	vst v63  }
0x35: {  	_ =	swait.ge [sflag:s28], $0x4000  }
0x36: {  	[sflag:s28] =	ssyncset.done $0x0  }
0x37: {  	s30 =	simm.s32 $0xFFFF7000;
	s0 =	simm.s32 $0x380;
	[sflag:s28] =	ssyncadd.s32 $0xFFFFC000  }
.LBB2_2:
0x38: {  	[tilespmem:s20], [sflag:$0x4] =	stream.indirect.gather [hbm4b:s7+s14], $0x80, s0, s14, $0xb8;
	[tilespmem:$0x1F000] =	vst v63  }
0x39: {  	s0 =	smov.u32 s30  }
0x3a: {  	p1 =	sne.s32 s30, $0xFFFFF800;
	s30 =	sadd.s32 $0x800, s30;
	_ =	swait.ge [sflag:s21], $0x4000  }
0x3b: {  	s0 =	sshra.s32 s0, $0x2;
	[sflag:s21] =	ssyncset.done $0x0  }
0x3c: {  	s1 =	sadd.s32 $0x2800, s0;
	[sflag:s21] =	ssyncadd.s32 $0xFFFFC000  }
0x3d: {  	[tilespmem:s15], [sflag:$0x1] =	stream.indirect.gather [hbm4b:s7+s14], $0x80, s1, s14, $0xb8;
	[tilespmem:$0x1F000] =	vst v63  }
0x3e: {  	_ =	swait.ge [sflag:s23], $0x4000  }
0x3f: {  	[sflag:s23] =	ssyncset.done $0x0  }
0x40: {  	s1 =	sadd.s32 $0x2880, s0;
	[sflag:s23] =	ssyncadd.s32 $0xFFFFC000  }
0x41: {  	[tilespmem:s16], [sflag:$0x2] =	stream.indirect.gather [hbm4b:s7+s14], $0x80, s1, s14, $0xb8;
	[tilespmem:$0x1F000] =	vst v63  }
0x42: {  	_ =	swait.ge [sflag:s26], $0x4000  }
0x43: {  	[sflag:s26] =	ssyncset.done $0x0  }
.Ltmp0:
0x44: {  	s1 =	sadd.s32 $0x2900, s0;
	[sflag:s26] =	ssyncadd.s32 $0xFFFFC000;
	(pc) =	sbr.rel @p1 .LBB2_2-.Ltmp0, $4  }
0x45: {  	[tilespmem:s18], [sflag:$0x3] =	stream.indirect.gather [hbm4b:s7+s14], $0x80, s1, s14, $0xb8;
	[tilespmem:$0x1F000] =	vst v63  }
0x46: {  	_ =	swait.ge [sflag:s28], $0x4000  }
0x47: {  	[sflag:s28] =	ssyncset.done $0x0  }
0x48: {  	s0 =	sadd.s32 $0x2980, s0;
	[sflag:s28] =	ssyncadd.s32 $0xFFFFC000  }
0x49: {  	[tilespmem:s20], [sflag:$0x4] =	stream.indirect.gather [hbm4b:s7+s14], $0x80, s0, s14, $0xb8;
	[tilespmem:$0x1F000] =	vst v63  }
0x4a: {  	_ =	swait.ge [sflag:s21], $0x4000  }
0x4b: {  	[sflag:s21] =	ssyncset.done $0x0  }
0x4c: {  	[sflag:s21] =	ssyncadd.s32 $0xFFFFC000  }
0x4d: {  	_ =	swait.ge [sflag:s23], $0x4000  }
0x4e: {  	[sflag:s23] =	ssyncset.done $0x0  }
0x4f: {  	[sflag:s23] =	ssyncadd.s32 $0xFFFFC000  }
0x50: {  	_ =	swait.ge [sflag:s26], $0x4000  }
0x51: {  	[sflag:s26] =	ssyncset.done $0x0  }
0x52: {  	[sflag:s26] =	ssyncadd.s32 $0xFFFFC000  }
0x53: {  	_ =	swait.ge [sflag:s28], $0x4000  }
0x54: {  	[sflag:s28] =	ssyncset.done $0x0  }
0x55: {  	[sflag:s28] =	ssyncadd.s32 $0xFFFFC000  }
0x56: {  	s0 =	sadd.s32 @p0 $0x12C00, s8;
	s30 =	sshrl.u32 @p0 s5, $0x3;
	[bflag:$0x0] =	sbarrier.arrive $0xFFFF  }
0x57: {  	[hbm:s0], [sflag:s11] =	dma.local @p0 [spmem:s30], $0xC80  }
0x58: {  	s0 =	simm.s32 @p0 $0x5  }
0x59: {  	_ =	swait.ge @p0 [sflag:s0], $0xC80  }
0x5a: {  	[sflag:s0] =	ssyncset.done @p0 $0x0  }
0x5b: {  	s31 =	sshrl.u32 @!p0 s5, $0x3;
	[sflag:s0] =	ssyncadd.s32 @p0 $0xFFFFF380;
	s0 =	simm.s32 @!p0 $0x5  }
0x5c: {  	[hbm:s24], [sflag:s11] =	dma.local @!p0 [spmem:s31], $0x1400  }
0x5d: {  	_ =	swait.ge @!p0 [sflag:s0], $0x1400  }
0x5e: {  	[sflag:s0] =	ssyncset.done @!p0 $0x0  }
0x5f: {  	[sflag:s0] =	ssyncadd.s32 @!p0 $0xFFFFEC00  }
0x60: {  	[bflag:$0x0] =	sbarrier.arrive $0xFFFF  }
0x61: {  	[spmem:s12], [sflag:s11] =	dma.local [hbm:s3], $0x1400  }
0x62: {  	_ =	swait.ge [sflag:s10], $0x1400  }
0x63: {  	[sflag:s10] =	ssyncset.done $0x0  }
0x64: {  	[sflag:s10] =	ssyncadd.s32 $0xFFFFEC00  }
0x65: {  	[tilespmem:s13], [sflag:$0x5] =	stream.linear.gather [hbm4b:s22+s2], $0x2800, $0x38;
	[tilespmem:$0x1F000] =	vst v63  }
0x66: {  	_ =	swait.ge [sflag:s10], $0x2800  }
0x67: {  	[sflag:s10] =	ssyncset.done $0x0  }
0x68: {  	[sflag:s10] =	ssyncadd.s32 $0xFFFFD800  }
0x69: {  	[bflag:$0x0] =	sbarrier.arrive $0xFFFF  }
0x6a: {  	[tilespmem:s15], [sflag:$0x1] =	stream.indirect.gather [hbm4b:s7+s14], $0x80, s2, s14, $0xb8;
	[tilespmem:$0x1F000] =	vst v63  }
0x6b: {  	_ = 	snop  }
0x6c: {  	[tilespmem:s16], [sflag:$0x2] =	stream.indirect.gather [hbm4b:s7+s14], $0x80, s14, s14, $0xb8;
	[tilespmem:$0x1F000] =	vst v63  }
0x6d: {  	_ = 	snop  }
0x6e: {  	[tilespmem:s18], [sflag:$0x3] =	stream.indirect.gather [hbm4b:s7+s14], $0x80, s17, s14, $0xb8;
	[tilespmem:$0x1F000] =	vst v63  }
0x6f: {  	_ = 	snop  }
0x70: {  	[tilespmem:s20], [sflag:$0x4] =	stream.indirect.gather [hbm4b:s7+s14], $0x80, s19, s14, $0xb8;
	[tilespmem:$0x1F000] =	vst v63  }
0x71: {  	_ =	swait.ge [sflag:s21], $0x4000  }
0x72: {  	[sflag:s21] =	ssyncset.done $0x0  }
0x73: {  	s4 =	simm.s32 $0x200;
	[sflag:s21] =	ssyncadd.s32 $0xFFFFC000  }
0x74: {  	[tilespmem:s15], [sflag:$0x1] =	stream.indirect.gather [hbm4b:s7+s14], $0x80, s4, s14, $0xb8;
	[tilespmem:$0x1F000] =	vst v63  }
0x75: {  	_ =	swait.ge [sflag:s23], $0x4000  }
0x76: {  	[sflag:s23] =	ssyncset.done $0x0  }
0x77: {  	s1 =	simm.s32 $0x280;
	[sflag:s23] =	ssyncadd.s32 $0xFFFFC000  }
0x78: {  	[tilespmem:s16], [sflag:$0x2] =	stream.indirect.gather [hbm4b:s7+s14], $0x80, s1, s14, $0xb8;
	[tilespmem:$0x1F000] =	vst v63  }
0x79: {  	_ =	swait.ge [sflag:s26], $0x4000  }
0x7a: {  	[sflag:s26] =	ssyncset.done $0x0  }
0x7b: {  	s4 =	simm.s32 $0x300;
	[sflag:s26] =	ssyncadd.s32 $0xFFFFC000  }
0x7c: {  	[tilespmem:s18], [sflag:$0x3] =	stream.indirect.gather [hbm4b:s7+s14], $0x80, s4, s14, $0xb8;
	[tilespmem:$0x1F000] =	vst v63  }
0x7d: {  	_ =	swait.ge [sflag:s28], $0x4000  }
0x7e: {  	[sflag:s28] =	ssyncset.done $0x0  }
0x7f: {  	s0 =	simm.s32 $0xFFFF7000;
	s1 =	simm.s32 $0x380;
	[sflag:s28] =	ssyncadd.s32 $0xFFFFC000  }
.LBB2_4:
0x80: {  	[tilespmem:s20], [sflag:$0x4] =	stream.indirect.gather [hbm4b:s7+s14], $0x80, s1, s14, $0xb8;
	[tilespmem:$0x1F000] =	vst v63  }
0x81: {  	s1 =	smov.u32 s0  }
0x82: {  	p1 =	sne.s32 s0, $0xFFFFF800;
	s0 =	sadd.s32 $0x800, s0;
	_ =	swait.ge [sflag:s21], $0x4000  }
0x83: {  	s1 =	sshra.s32 s1, $0x2;
	[sflag:s21] =	ssyncset.done $0x0  }
0x84: {  	s4 =	sadd.s32 $0x2800, s1;
	[sflag:s21] =	ssyncadd.s32 $0xFFFFC000  }
0x85: {  	[tilespmem:s15], [sflag:$0x1] =	stream.indirect.gather [hbm4b:s7+s14], $0x80, s4, s14, $0xb8;
	[tilespmem:$0x1F000] =	vst v63  }
0x86: {  	_ =	swait.ge [sflag:s23], $0x4000  }
0x87: {  	[sflag:s23] =	ssyncset.done $0x0  }
0x88: {  	s4 =	sadd.s32 $0x2880, s1;
	[sflag:s23] =	ssyncadd.s32 $0xFFFFC000  }
0x89: {  	[tilespmem:s16], [sflag:$0x2] =	stream.indirect.gather [hbm4b:s7+s14], $0x80, s4, s14, $0xb8;
	[tilespmem:$0x1F000] =	vst v63  }
0x8a: {  	_ =	swait.ge [sflag:s26], $0x4000  }
0x8b: {  	[sflag:s26] =	ssyncset.done $0x0  }
.Ltmp1:
0x8c: {  	s4 =	sadd.s32 $0x2900, s1;
	[sflag:s26] =	ssyncadd.s32 $0xFFFFC000;
	(pc) =	sbr.rel @p1 .LBB2_4-.Ltmp1, $4  }
0x8d: {  	[tilespmem:s18], [sflag:$0x3] =	stream.indirect.gather [hbm4b:s7+s14], $0x80, s4, s14, $0xb8;
	[tilespmem:$0x1F000] =	vst v63  }
0x8e: {  	_ =	swait.ge [sflag:s28], $0x4000  }
0x8f: {  	[sflag:s28] =	ssyncset.done $0x0  }
0x90: {  	s1 =	sadd.s32 $0x2980, s1;
	[sflag:s28] =	ssyncadd.s32 $0xFFFFC000  }
0x91: {  	[tilespmem:s20], [sflag:$0x4] =	stream.indirect.gather [hbm4b:s7+s14], $0x80, s1, s14, $0xb8;
	[tilespmem:$0x1F000] =	vst v63  }
0x92: {  	_ =	swait.ge [sflag:s21], $0x4000  }
0x93: {  	[sflag:s21] =	ssyncset.done $0x0  }
0x94: {  	[sflag:s21] =	ssyncadd.s32 $0xFFFFC000  }
0x95: {  	_ =	swait.ge [sflag:s23], $0x4000  }
0x96: {  	[sflag:s23] =	ssyncset.done $0x0  }
0x97: {  	[sflag:s23] =	ssyncadd.s32 $0xFFFFC000  }
0x98: {  	_ =	swait.ge [sflag:s26], $0x4000  }
0x99: {  	[sflag:s26] =	ssyncset.done $0x0  }
0x9a: {  	[sflag:s26] =	ssyncadd.s32 $0xFFFFC000  }
0x9b: {  	_ =	swait.ge [sflag:s28], $0x4000  }
0x9c: {  	[sflag:s28] =	ssyncset.done $0x0  }
0x9d: {  	[sflag:s28] =	ssyncadd.s32 $0xFFFFC000  }
0x9e: {  	s0 =	sadd.s32 @p0 $0x26480, s8;
	[bflag:$0x0] =	sbarrier.arrive $0xFFFF  }
0x9f: {  	[hbm:s0], [sflag:s11] =	dma.local @p0 [spmem:s30], $0xC80  }
0xa0: {  	s0 =	simm.s32 @p0 $0x5  }
0xa1: {  	_ =	swait.ge @p0 [sflag:s0], $0xC80  }
0xa2: {  	s29 =	sadd.s32 $0x1, s29;
	[sflag:s0] =	ssyncset.done @p0 $0x0  }
0xa3: {  	p1 =	sne.s32 s29, s9;
	[sflag:s0] =	ssyncadd.s32 @p0 $0xFFFFF380;
	s0 =	simm.s32 @!p0 $0x5  }
0xa4: {  	[hbm:s25], [sflag:s11] =	dma.local @!p0 [spmem:s31], $0x1400  }
.Ltmp2:
0xa5: {  	_ =	swait.ge @!p0 [sflag:s0], $0x1400;
	(pc) =	sbr.rel @p1 .LBB2_1-.Ltmp2, $3  }
0xa6: {  	[sflag:s0] =	ssyncset.done @!p0 $0x0  }
0xa7: {  	[sflag:s0] =	ssyncadd.s32 @!p0 $0xFFFFEC00  }
0xa8: {  	[bflag:$0x0] =	sbarrier.arrive $0xFFFF;
	_ =	sdelay $0x1  }
0xa9: {  	_ =	sfence.sel $0x180000  }
0xaa: {  	[bflag:$0x0] =	sbarrier.arrive $0xFFFF  }
0xab: {  	_ =	strace $0x90000047  }
0xac: {  	s0 =	stileid.u32;
	[bflag:$0x2] =	sbarrier.arrive $0xFFFF  }
0xad: {  	p0 =	sne.s32 s0, $0x0;
	s0 =	rddreg [dreg:$0x3]  }
0xae: {  	s0 =	sadd.s32 @!p0 $0x100000, s0  }
0xaf: {  	[sflag:s0] =	ssyncadd.tile.s32 @!p0 $0x1;
	_ =	shalt  }
.Lfunc_end2:
_tile_overlayer_lowered:
.L_overlay_start_2:
0xb0: {  	(tag) =	ssettag $0x2  }
0xb1: {  	s0 =	rddreg [dreg:$0x0];
	s2 =	stileid.u32  }
0xb2: {  	s1 =	rddreg [dreg:$0x1];
	p0 =	sne.s32 s2, $0x0  }
0xb3: {  	s3 =	rddreg [dreg:$0x2];
	[bflag:$0x3] =	sbarrier.arrive $0xFFFF;
	s2 =	simm.s32 @!p0 $0x1C05  }
0xb4: {  	[timem:s3], [sflag:s2] =	dma.local @!p0 [hbm:s0], s1  }
0xb5: {  	s0 =	simm.s32 @!p0 $0x5  }
0xb6: {  	_ =	swait.ge @!p0 [sflag:s0], s1  }
0xb7: {  	s1 =	ssub.s32 @!p0 $0x0, s1;
	[sflag:s0] =	ssyncset.done @!p0 $0x0  }
0xb8: {  	[sflag:s0] =	ssyncadd.s32 @!p0 s1  }
0xb9: {  	[bflag:$0x3] =	sbarrier.arrive $0xFFFF  }
0xba: {  	_ =	shalt  }

</sc_bundles>
